<compile_context>
chip_gen: v7x
topology: tpu7x:2x2x1
jax: 0.10.2.dev20260603
libtpu: 0.0.44.dev20260713+nightly
codegen_flags: <defaults>
</compile_context>

<pallas_src>
import jax
import jax.numpy as jnp
from jax import lax
from jax.experimental import pallas as pl
from jax.experimental.pallas import tpu as pltpu
from jax.experimental.pallas import tpu_sc as plsc

EMBED_DIM = 64
NUM_CORES = 2
NUM_SUBCORES = 16
NW = NUM_CORES * NUM_SUBCORES
CHUNK = 128
K = 2
GROUP = CHUNK * K
NBUF = 4


def _gather_body(idx_hbm, table_hbm, out_hbm, idx_v, rows_v, gsem, osem):
    wid = lax.axis_index("s") * NUM_CORES + lax.axis_index("c")
    nchunk = idx_hbm.shape[0] // NW
    ngroup = nchunk // K
    base = wid * nchunk

    pltpu.sync_copy(idx_hbm.at[pl.ds(base, nchunk)], idx_v)

    def fire(g, b):
        for j in range(K):
            pltpu.async_copy(
                table_hbm.at[idx_v.at[g * K + j]],
                rows_v.at[b].at[pl.ds(j * CHUNK, CHUNK)],
                gsem.at[b])

    def drain(g, b):
        for j in range(K):
            pltpu.make_async_copy(
                table_hbm.at[idx_v.at[g * K + j]],
                rows_v.at[b].at[pl.ds(j * CHUNK, CHUNK)],
                gsem.at[b]).wait()

    def out_copy(g, b):
        return pltpu.make_async_copy(
            rows_v.at[b],
            out_hbm.at[pl.ds(base * CHUNK + g * GROUP, GROUP),
                       pl.ds(0, EMBED_DIM)],
            osem.at[b])

    for b in range(NBUF):
        fire(b, b)

    def step(p, carry):
        for b in range(NBUF):
            g = p * NBUF + b
            drain(g, b)
            out_copy(g, b).start()
            nxt = g + NBUF

            @pl.when(nxt < ngroup)
            def _():
                out_copy(g, b).wait()
                fire(nxt, b)
        return carry

    lax.fori_loop(0, ngroup // NBUF, step, 0)

    for b in range(NBUF):
        out_copy(ngroup - NBUF + b, b).wait()


TBLK = 5632
NTBLK = 89
HALF = TBLK * NTBLK


def _transpose_block(left_ref, right_ref, out_ref):
    a = left_ref[...].T
    b = right_ref[...].T
    out_ref[...] = jnp.concatenate([a, b], axis=1)


def _format_table(table):
    tT = table.T
    out = pl.pallas_call(
        _transpose_block,
        grid=(NTBLK,),
        in_specs=[pl.BlockSpec((EMBED_DIM, TBLK), lambda i: (0, i)),
                  pl.BlockSpec((EMBED_DIM, TBLK), lambda i: (0, i + NTBLK))],
        out_specs=pl.BlockSpec((TBLK, 128), lambda i: (i, 0)),
        out_shape=jax.ShapeDtypeStruct((HALF, 128), jnp.float32),
    )(tT, tT)
    return out.reshape(2 * HALF, EMBED_DIM)


def kernel(input_x, table):
    batch, hist = input_x.shape
    n = batch * hist
    x32 = input_x.astype(jnp.int32)
    idx2d = jnp.where(x32 < HALF, 2 * x32,
                      2 * x32 - (2 * HALF - 1)).reshape(n // 128, 128)
    t2 = _format_table(table)
    mesh = plsc.VectorSubcoreMesh(core_axis_name="c", subcore_axis_name="s")
    out128 = pl.kernel(
        _gather_body,
        out_type=jax.ShapeDtypeStruct((n, 128), jnp.float32),
        mesh=mesh,
        compiler_params=pltpu.CompilerParams(use_tc_tiling_on_sc=False),
        scratch_types=[
            pltpu.VMEM((n // 128 // NW, 128), jnp.int32),
            pltpu.VMEM((NBUF, GROUP, EMBED_DIM), jnp.float32),
            pltpu.SemaphoreType.DMA((NBUF,)),
            pltpu.SemaphoreType.DMA((NBUF,)),
        ],
    )(idx2d, t2)
    out = jax.lax.slice(out128, (0, 0), (n, EMBED_DIM))
    return out.reshape(batch, hist, EMBED_DIM)

# --- scband reference (transcript-rebuilt; emitter-appended) ---
"""Pipeline reference for scband-embedding-layer-4312147165669 (READ-ONLY COPY).

The authoritative reference and input builder live on the scoring server;
editing this copy changes nothing except your own understanding.
"""

import jax, jax.numpy as jnp
import numpy as np

WORD_NUM = 1000000
EMBED_DIM = 64
BATCH = 4096
HIST = 200


def setup_inputs(seed: int = 0) -> dict:
    key = jax.random.key(seed)
    k_idx, k_tab = jax.random.split(key)
    input_x = jax.random.randint(k_idx, (BATCH, HIST), 0, WORD_NUM, dtype=jnp.int64 if jax.config.jax_enable_x64 else jnp.int32)
    # xavier_normal_ init: std = sqrt(2 / (fan_in + fan_out))
    std = float(np.sqrt(2.0 / (WORD_NUM + EMBED_DIM)))
    table = jax.random.normal(k_tab, (WORD_NUM, EMBED_DIM), dtype=jnp.float32) * std
    return {"input_x": input_x, "table": table}


def reference(input_x, table):
    # torch.nn.Embedding forward == row gather from the weight table
    return jnp.take(table, input_x, axis=0)

if __name__ == "__main__":
    import jax
    _d = setup_inputs()
    print(jax.jit(kernel)(*tuple(_d.values())))

</pallas_src>

<mosaic_0001>
#map = affine_map<(d0, d1) -> (0, 0)>
module attributes {stable_mosaic.version = 14 : i64} {
  func.func @_gather_body(%arg0: i32, %arg1: i32, %arg2: memref<6400x128xi32, #tpu.memory_space<hbm>>, %arg3: memref<1002496x64xf32, #tpu.memory_space<hbm>>, %arg4: memref<819200x128xf32, #tpu.memory_space<hbm>>, %arg5: memref<200x128xi32, #tpu.memory_space<vmem>>, %arg6: memref<4x256x64xf32, #tpu.memory_space<vmem>>, %arg7: memref<4x!tpu.dma_semaphore, #tpu.memory_space<semaphore_mem>>, %arg8: memref<4x!tpu.dma_semaphore, #tpu.memory_space<semaphore_mem>>) attributes {dimension_semantics = [#tpu.dimension_semantics<core_parallel>, #tpu.dimension_semantics<subcore_parallel>], iteration_bounds = array<i64: 2, 16>, scalar_prefetch = 0 : i64, scratch_operands = 4 : i64, tpu.core_type = #tpu.core_type<sc_vector_subcore>, window_params = [{transform_indices = #map}, {transform_indices = #map}, {transform_indices = #map}]} {
    %mul3A = arith.constant 2 : i32
    %mul3A_0 = arith.muli %arg1, %mul3A : i32
    %add3A = arith.addi %mul3A_0, %arg0 : i32
    %mul3A_1 = arith.constant 200 : i32
    %mul3A_2 = arith.muli %add3A, %mul3A_1 : i32
    "tpu.region"() ({
      %run_scoped3A = tpu.sem_alloc : memref<!tpu.dma_semaphore, #tpu.memory_space<semaphore_mem>>
      %dma_start3A_230 = arith.constant 0 : i32
      %dma_start3A_231 = tpu.memref_slice %arg2[%mul3A_2, %dma_start3A_230] : memref<6400x128xi32, #tpu.memory_space<hbm>> -> memref<200x128xi32, #tpu.memory_space<hbm>>
      %dma_start3A_232 = arith.constant 0 : i32
      %dma_start3A_233 = tpu.memref_slice %arg2[%mul3A_2, %dma_start3A_232] : memref<6400x128xi32, #tpu.memory_space<hbm>> -> memref<200x128xi32, #tpu.memory_space<hbm>>
      tpu.enqueue_dma source(%dma_start3A_233 : memref<200x128xi32, #tpu.memory_space<hbm>>) target(%arg5 : memref<200x128xi32, #tpu.memory_space<vmem>>) target_semaphore(%run_scoped3A : memref<!tpu.dma_semaphore, #tpu.memory_space<semaphore_mem>>)
      %dma_wait3A_234 = arith.constant 0 : i32
      %dma_wait3A_235 = tpu.memref_slice %arg2[%mul3A_2, %dma_wait3A_234] : memref<6400x128xi32, #tpu.memory_space<hbm>> -> memref<200x128xi32, #tpu.memory_space<hbm>>
      %dma_wait3A_236 = arith.constant 0 : i32
      %dma_wait3A_237 = tpu.memref_slice %arg2[%mul3A_2, %dma_wait3A_236] : memref<6400x128xi32, #tpu.memory_space<hbm>> -> memref<200x128xi32, #tpu.memory_space<hbm>>
      tpu.wait_dma2 semaphore(%run_scoped3A : memref<!tpu.dma_semaphore, #tpu.memory_space<semaphore_mem>>) src(%dma_wait3A_237 : memref<200x128xi32, #tpu.memory_space<hbm>>) dst(%arg5 : memref<200x128xi32, #tpu.memory_space<vmem>>)
      tpu.yield
    }) : () -> ()
    %dma_start3A = arith.constant 0 : i32
    %dma_start3A_3 = arith.constant 0 : i32
    %dma_start3A_4 = arith.constant 0 : i32
    %dma_start3A_5 = arith.constant 0 : i32
    %dma_start3A_6 = arith.constant 0 : i32
    %dma_start3A_7 = tpu.memref_slice %arg6[%dma_start3A_3, %dma_start3A_5, %dma_start3A_6] : memref<4x256x64xf32, #tpu.memory_space<vmem>> -> memref<1x256x64xf32, #tpu.memory_space<vmem>>
    %dma_start3A_8 = tpu.memref_squeeze %dma_start3A_7 : memref<1x256x64xf32, #tpu.memory_space<vmem>> -> memref<256x64xf32, #tpu.memory_space<vmem>>
    %dma_start3A_9 = arith.constant 0 : i32
    %dma_start3A_10 = arith.constant 0 : i32
    %dma_start3A_11 = tpu.memref_slice %dma_start3A_8[%dma_start3A_9, %dma_start3A_10] : memref<256x64xf32, #tpu.memory_space<vmem>> -> memref<128x64xf32, #tpu.memory_space<vmem>>
    %dma_start3A_12 = arith.constant 0 : i32
    %dma_start3A_13 = tpu.memref_slice %arg5[%dma_start3A, %dma_start3A_12] : memref<200x128xi32, #tpu.memory_space<vmem>> -> memref<1x128xi32, #tpu.memory_space<vmem>>
    %dma_start3A_14 = tpu.memref_squeeze %dma_start3A_13 : memref<1x128xi32, #tpu.memory_space<vmem>> -> memref<128xi32, #tpu.memory_space<vmem>>
    %dma_start3A_15 = arith.constant 0 : i32
    %dma_start3A_16 = arith.constant 0 : i32
    %dma_start3A_17 = tpu.memref_slice %arg3[%dma_start3A_15, %dma_start3A_16] : memref<1002496x64xf32, #tpu.memory_space<hbm>> -> memref<1002496x64xf32, #tpu.memory_space<hbm>>
    %dma_start3A_18 = tpu.memref_slice %arg7[%dma_start3A_4] : memref<4x!tpu.dma_semaphore, #tpu.memory_space<semaphore_mem>> -> memref<1x!tpu.dma_semaphore, #tpu.memory_space<semaphore_mem>>
    %dma_start3A_19 = tpu.memref_squeeze %dma_start3A_18 : memref<1x!tpu.dma_semaphore, #tpu.memory_space<semaphore_mem>> -> memref<!tpu.dma_semaphore, #tpu.memory_space<semaphore_mem>>
    tpu.enqueue_indirect_dma source(%dma_start3A_17 : memref<1002496x64xf32, #tpu.memory_space<hbm>>) target(%dma_start3A_11 : memref<128x64xf32, #tpu.memory_space<vmem>>) offsets(%dma_start3A_14 : memref<128xi32, #tpu.memory_space<vmem>>) semaphore(%dma_start3A_19 : memref<!tpu.dma_semaphore, #tpu.memory_space<semaphore_mem>>)
    %dma_start3A_20 = arith.constant 1 : i32
    %dma_start3A_21 = arith.constant 0 : i32
    %dma_start3A_22 = arith.constant 0 : i32
    %dma_start3A_23 = arith.constant 0 : i32
    %dma_start3A_24 = arith.constant 0 : i32
    %dma_start3A_25 = tpu.memref_slice %arg6[%dma_start3A_21, %dma_start3A_23, %dma_start3A_24] : memref<4x256x64xf32, #tpu.memory_space<vmem>> -> memref<1x256x64xf32, #tpu.memory_space<vmem>>
    %dma_start3A_26 = tpu.memref_squeeze %dma_start3A_25 : memref<1x256x64xf32, #tpu.memory_space<vmem>> -> memref<256x64xf32, #tpu.memory_space<vmem>>
    %dma_start3A_27 = arith.constant 128 : i32
    %dma_start3A_28 = arith.constant 0 : i32
    %dma_start3A_29 = tpu.memref_slice %dma_start3A_26[%dma_start3A_27, %dma_start3A_28] : memref<256x64xf32, #tpu.memory_space<vmem>> -> memref<128x64xf32, #tpu.memory_space<vmem>>
    %dma_start3A_30 = arith.constant 0 : i32
    %dma_start3A_31 = tpu.memref_slice %arg5[%dma_start3A_20, %dma_start3A_30] : memref<200x128xi32, #tpu.memory_space<vmem>> -> memref<1x128xi32, #tpu.memory_space<vmem>>
    %dma_start3A_32 = tpu.memref_squeeze %dma_start3A_31 : memref<1x128xi32, #tpu.memory_space<vmem>> -> memref<128xi32, #tpu.memory_space<vmem>>
    %dma_start3A_33 = arith.constant 0 : i32
    %dma_start3A_34 = arith.constant 0 : i32
    %dma_start3A_35 = tpu.memref_slice %arg3[%dma_start3A_33, %dma_start3A_34] : memref<1002496x64xf32, #tpu.memory_space<hbm>> -> memref<1002496x64xf32, #tpu.memory_space<hbm>>
    %dma_start3A_36 = tpu.memref_slice %arg7[%dma_start3A_22] : memref<4x!tpu.dma_semaphore, #tpu.memory_space<semaphore_mem>> -> memref<1x!tpu.dma_semaphore, #tpu.memory_space<semaphore_mem>>
    %dma_start3A_37 = tpu.memref_squeeze %dma_start3A_36 : memref<1x!tpu.dma_semaphore, #tpu.memory_space<semaphore_mem>> -> memref<!tpu.dma_semaphore, #tpu.memory_space<semaphore_mem>>
    tpu.enqueue_indirect_dma source(%dma_start3A_35 : memref<1002496x64xf32, #tpu.memory_space<hbm>>) target(%dma_start3A_29 : memref<128x64xf32, #tpu.memory_space<vmem>>) offsets(%dma_start3A_32 : memref<128xi32, #tpu.memory_space<vmem>>) semaphore(%dma_start3A_37 : memref<!tpu.dma_semaphore, #tpu.memory_space<semaphore_mem>>)
    %dma_start3A_38 = arith.constant 2 : i32
    %dma_start3A_39 = arith.constant 1 : i32
    %dma_start3A_40 = arith.constant 1 : i32
    %dma_start3A_41 = arith.constant 0 : i32
    %dma_start3A_42 = arith.constant 0 : i32
    %dma_start3A_43 = tpu.memref_slice %arg6[%dma_start3A_39, %dma_start3A_41, %dma_start3A_42] : memref<4x256x64xf32, #tpu.memory_space<vmem>> -> memref<1x256x64xf32, #tpu.memory_space<vmem>>
    %dma_start3A_44 = tpu.memref_squeeze %dma_start3A_43 : memref<1x256x64xf32, #tpu.memory_space<vmem>> -> memref<256x64xf32, #tpu.memory_space<vmem>>
    %dma_start3A_45 = arith.constant 0 : i32
    %dma_start3A_46 = arith.constant 0 : i32
    %dma_start3A_47 = tpu.memref_slice %dma_start3A_44[%dma_start3A_45, %dma_start3A_46] : memref<256x64xf32, #tpu.memory_space<vmem>> -> memref<128x64xf32, #tpu.memory_space<vmem>>
    %dma_start3A_48 = arith.constant 0 : i32
    %dma_start3A_49 = tpu.memref_slice %arg5[%dma_start3A_38, %dma_start3A_48] : memref<200x128xi32, #tpu.memory_space<vmem>> -> memref<1x128xi32, #tpu.memory_space<vmem>>
    %dma_start3A_50 = tpu.memref_squeeze %dma_start3A_49 : memref<1x128xi32, #tpu.memory_space<vmem>> -> memref<128xi32, #tpu.memory_space<vmem>>
    %dma_start3A_51 = arith.constant 0 : i32
    %dma_start3A_52 = arith.constant 0 : i32
    %dma_start3A_53 = tpu.memref_slice %arg3[%dma_start3A_51, %dma_start3A_52] : memref<1002496x64xf32, #tpu.memory_space<hbm>> -> memref<1002496x64xf32, #tpu.memory_space<hbm>>
    %dma_start3A_54 = tpu.memref_slice %arg7[%dma_start3A_40] : memref<4x!tpu.dma_semaphore, #tpu.memory_space<semaphore_mem>> -> memref<1x!tpu.dma_semaphore, #tpu.memory_space<semaphore_mem>>
    %dma_start3A_55 = tpu.memref_squeeze %dma_start3A_54 : memref<1x!tpu.dma_semaphore, #tpu.memory_space<semaphore_mem>> -> memref<!tpu.dma_semaphore, #tpu.memory_space<semaphore_mem>>
    tpu.enqueue_indirect_dma source(%dma_start3A_53 : memref<1002496x64xf32, #tpu.memory_space<hbm>>) target(%dma_start3A_47 : memref<128x64xf32, #tpu.memory_space<vmem>>) offsets(%dma_start3A_50 : memref<128xi32, #tpu.memory_space<vmem>>) semaphore(%dma_start3A_55 : memref<!tpu.dma_semaphore, #tpu.memory_space<semaphore_mem>>)
    %dma_start3A_56 = arith.constant 3 : i32
    %dma_start3A_57 = arith.constant 1 : i32
    %dma_start3A_58 = arith.constant 1 : i32
    %dma_start3A_59 = arith.constant 0 : i32
    %dma_start3A_60 = arith.constant 0 : i32
    %dma_start3A_61 = tpu.memref_slice %arg6[%dma_start3A_57, %dma_start3A_59, %dma_start3A_60] : memref<4x256x64xf32, #tpu.memory_space<vmem>> -> memref<1x256x64xf32, #tpu.memory_space<vmem>>
    %dma_start3A_62 = tpu.memref_squeeze %dma_start3A_61 : memref<1x256x64xf32, #tpu.memory_space<vmem>> -> memref<256x64xf32, #tpu.memory_space<vmem>>
    %dma_start3A_63 = arith.constant 128 : i32
    %dma_start3A_64 = arith.constant 0 : i32
    %dma_start3A_65 = tpu.memref_slice %dma_start3A_62[%dma_start3A_63, %dma_start3A_64] : memref<256x64xf32, #tpu.memory_space<vmem>> -> memref<128x64xf32, #tpu.memory_space<vmem>>
    %dma_start3A_66 = arith.constant 0 : i32
    %dma_start3A_67 = tpu.memref_slice %arg5[%dma_start3A_56, %dma_start3A_66] : memref<200x128xi32, #tpu.memory_space<vmem>> -> memref<1x128xi32, #tpu.memory_space<vmem>>
    %dma_start3A_68 = tpu.memref_squeeze %dma_start3A_67 : memref<1x128xi32, #tpu.memory_space<vmem>> -> memref<128xi32, #tpu.memory_space<vmem>>
    %dma_start3A_69 = arith.constant 0 : i32
    %dma_start3A_70 = arith.constant 0 : i32
    %dma_start3A_71 = tpu.memref_slice %arg3[%dma_start3A_69, %dma_start3A_70] : memref<1002496x64xf32, #tpu.memory_space<hbm>> -> memref<1002496x64xf32, #tpu.memory_space<hbm>>
    %dma_start3A_72 = tpu.memref_slice %arg7[%dma_start3A_58] : memref<4x!tpu.dma_semaphore, #tpu.memory_space<semaphore_mem>> -> memref<1x!tpu.dma_semaphore, #tpu.memory_space<semaphore_mem>>
    %dma_start3A_73 = tpu.memref_squeeze %dma_start3A_72 : memref<1x!tpu.dma_semaphore, #tpu.memory_space<semaphore_mem>> -> memref<!tpu.dma_semaphore, #tpu.memory_space<semaphore_mem>>
    tpu.enqueue_indirect_dma source(%dma_start3A_71 : memref<1002496x64xf32, #tpu.memory_space<hbm>>) target(%dma_start3A_65 : memref<128x64xf32, #tpu.memory_space<vmem>>) offsets(%dma_start3A_68 : memref<128xi32, #tpu.memory_space<vmem>>) semaphore(%dma_start3A_73 : memref<!tpu.dma_semaphore, #tpu.memory_space<semaphore_mem>>)
    %dma_start3A_74 = arith.constant 4 : i32
    %dma_start3A_75 = arith.constant 2 : i32
    %dma_start3A_76 = arith.constant 2 : i32
    %dma_start3A_77 = arith.constant 0 : i32
    %dma_start3A_78 = arith.constant 0 : i32
    %dma_start3A_79 = tpu.memref_slice %arg6[%dma_start3A_75, %dma_start3A_77, %dma_start3A_78] : memref<4x256x64xf32, #tpu.memory_space<vmem>> -> memref<1x256x64xf32, #tpu.memory_space<vmem>>
    %dma_start3A_80 = tpu.memref_squeeze %dma_start3A_79 : memref<1x256x64xf32, #tpu.memory_space<vmem>> -> memref<256x64xf32, #tpu.memory_space<vmem>>
    %dma_start3A_81 = arith.constant 0 : i32
    %dma_start3A_82 = arith.constant 0 : i32
    %dma_start3A_83 = tpu.memref_slice %dma_start3A_80[%dma_start3A_81, %dma_start3A_82] : memref<256x64xf32, #tpu.memory_space<vmem>> -> memref<128x64xf32, #tpu.memory_space<vmem>>
    %dma_start3A_84 = arith.constant 0 : i32
    %dma_start3A_85 = tpu.memref_slice %arg5[%dma_start3A_74, %dma_start3A_84] : memref<200x128xi32, #tpu.memory_space<vmem>> -> memref<1x128xi32, #tpu.memory_space<vmem>>
    %dma_start3A_86 = tpu.memref_squeeze %dma_start3A_85 : memref<1x128xi32, #tpu.memory_space<vmem>> -> memref<128xi32, #tpu.memory_space<vmem>>
    %dma_start3A_87 = arith.constant 0 : i32
    %dma_start3A_88 = arith.constant 0 : i32
    %dma_start3A_89 = tpu.memref_slice %arg3[%dma_start3A_87, %dma_start3A_88] : memref<1002496x64xf32, #tpu.memory_space<hbm>> -> memref<1002496x64xf32, #tpu.memory_space<hbm>>
    %dma_start3A_90 = tpu.memref_slice %arg7[%dma_start3A_76] : memref<4x!tpu.dma_semaphore, #tpu.memory_space<semaphore_mem>> -> memref<1x!tpu.dma_semaphore, #tpu.memory_space<semaphore_mem>>
    %dma_start3A_91 = tpu.memref_squeeze %dma_start3A_90 : memref<1x!tpu.dma_semaphore, #tpu.memory_space<semaphore_mem>> -> memref<!tpu.dma_semaphore, #tpu.memory_space<semaphore_mem>>
    tpu.enqueue_indirect_dma source(%dma_start3A_89 : memref<1002496x64xf32, #tpu.memory_space<hbm>>) target(%dma_start3A_83 : memref<128x64xf32, #tpu.memory_space<vmem>>) offsets(%dma_start3A_86 : memref<128xi32, #tpu.memory_space<vmem>>) semaphore(%dma_start3A_91 : memref<!tpu.dma_semaphore, #tpu.memory_space<semaphore_mem>>)
    %dma_start3A_92 = arith.constant 5 : i32
    %dma_start3A_93 = arith.constant 2 : i32
    %dma_start3A_94 = arith.constant 2 : i32
    %dma_start3A_95 = arith.constant 0 : i32
    %dma_start3A_96 = arith.constant 0 : i32
    %dma_start3A_97 = tpu.memref_slice %arg6[%dma_start3A_93, %dma_start3A_95, %dma_start3A_96] : memref<4x256x64xf32, #tpu.memory_space<vmem>> -> memref<1x256x64xf32, #tpu.memory_space<vmem>>
    %dma_start3A_98 = tpu.memref_squeeze %dma_start3A_97 : memref<1x256x64xf32, #tpu.memory_space<vmem>> -> memref<256x64xf32, #tpu.memory_space<vmem>>
    %dma_start3A_99 = arith.constant 128 : i32
    %dma_start3A_100 = arith.constant 0 : i32
    %dma_start3A_101 = tpu.memref_slice %dma_start3A_98[%dma_start3A_99, %dma_start3A_100] : memref<256x64xf32, #tpu.memory_space<vmem>> -> memref<128x64xf32, #tpu.memory_space<vmem>>
    %dma_start3A_102 = arith.constant 0 : i32
    %dma_start3A_103 = tpu.memref_slice %arg5[%dma_start3A_92, %dma_start3A_102] : memref<200x128xi32, #tpu.memory_space<vmem>> -> memref<1x128xi32, #tpu.memory_space<vmem>>
    %dma_start3A_104 = tpu.memref_squeeze %dma_start3A_103 : memref<1x128xi32, #tpu.memory_space<vmem>> -> memref<128xi32, #tpu.memory_space<vmem>>
    %dma_start3A_105 = arith.constant 0 : i32
    %dma_start3A_106 = arith.constant 0 : i32
    %dma_start3A_107 = tpu.memref_slice %arg3[%dma_start3A_105, %dma_start3A_106] : memref<1002496x64xf32, #tpu.memory_space<hbm>> -> memref<1002496x64xf32, #tpu.memory_space<hbm>>
    %dma_start3A_108 = tpu.memref_slice %arg7[%dma_start3A_94] : memref<4x!tpu.dma_semaphore, #tpu.memory_space<semaphore_mem>> -> memref<1x!tpu.dma_semaphore, #tpu.memory_space<semaphore_mem>>
    %dma_start3A_109 = tpu.memref_squeeze %dma_start3A_108 : memref<1x!tpu.dma_semaphore, #tpu.memory_space<semaphore_mem>> -> memref<!tpu.dma_semaphore, #tpu.memory_space<semaphore_mem>>
    tpu.enqueue_indirect_dma source(%dma_start3A_107 : memref<1002496x64xf32, #tpu.memory_space<hbm>>) target(%dma_start3A_101 : memref<128x64xf32, #tpu.memory_space<vmem>>) offsets(%dma_start3A_104 : memref<128xi32, #tpu.memory_space<vmem>>) semaphore(%dma_start3A_109 : memref<!tpu.dma_semaphore, #tpu.memory_space<semaphore_mem>>)
    %dma_start3A_110 = arith.constant 6 : i32
    %dma_start3A_111 = arith.constant 3 : i32
    %dma_start3A_112 = arith.constant 3 : i32
    %dma_start3A_113 = arith.constant 0 : i32
    %dma_start3A_114 = arith.constant 0 : i32
    %dma_start3A_115 = tpu.memref_slice %arg6[%dma_start3A_111, %dma_start3A_113, %dma_start3A_114] : memref<4x256x64xf32, #tpu.memory_space<vmem>> -> memref<1x256x64xf32, #tpu.memory_space<vmem>>
    %dma_start3A_116 = tpu.memref_squeeze %dma_start3A_115 : memref<1x256x64xf32, #tpu.memory_space<vmem>> -> memref<256x64xf32, #tpu.memory_space<vmem>>
    %dma_start3A_117 = arith.constant 0 : i32
    %dma_start3A_118 = arith.constant 0 : i32
    %dma_start3A_119 = tpu.memref_slice %dma_start3A_116[%dma_start3A_117, %dma_start3A_118] : memref<256x64xf32, #tpu.memory_space<vmem>> -> memref<128x64xf32, #tpu.memory_space<vmem>>
    %dma_start3A_120 = arith.constant 0 : i32
    %dma_start3A_121 = tpu.memref_slice %arg5[%dma_start3A_110, %dma_start3A_120] : memref<200x128xi32, #tpu.memory_space<vmem>> -> memref<1x128xi32, #tpu.memory_space<vmem>>
    %dma_start3A_122 = tpu.memref_squeeze %dma_start3A_121 : memref<1x128xi32, #tpu.memory_space<vmem>> -> memref<128xi32, #tpu.memory_space<vmem>>
    %dma_start3A_123 = arith.constant 0 : i32
    %dma_start3A_124 = arith.constant 0 : i32
    %dma_start3A_125 = tpu.memref_slice %arg3[%dma_start3A_123, %dma_start3A_124] : memref<1002496x64xf32, #tpu.memory_space<hbm>> -> memref<1002496x64xf32, #tpu.memory_space<hbm>>
    %dma_start3A_126 = tpu.memref_slice %arg7[%dma_start3A_112] : memref<4x!tpu.dma_semaphore, #tpu.memory_space<semaphore_mem>> -> memref<1x!tpu.dma_semaphore, #tpu.memory_space<semaphore_mem>>
    %dma_start3A_127 = tpu.memref_squeeze %dma_start3A_126 : memref<1x!tpu.dma_semaphore, #tpu.memory_space<semaphore_mem>> -> memref<!tpu.dma_semaphore, #tpu.memory_space<semaphore_mem>>
    tpu.enqueue_indirect_dma source(%dma_start3A_125 : memref<1002496x64xf32, #tpu.memory_space<hbm>>) target(%dma_start3A_119 : memref<128x64xf32, #tpu.memory_space<vmem>>) offsets(%dma_start3A_122 : memref<128xi32, #tpu.memory_space<vmem>>) semaphore(%dma_start3A_127 : memref<!tpu.dma_semaphore, #tpu.memory_space<semaphore_mem>>)
    %dma_start3A_128 = arith.constant 7 : i32
    %dma_start3A_129 = arith.constant 3 : i32
    %dma_start3A_130 = arith.constant 3 : i32
    %dma_start3A_131 = arith.constant 0 : i32
    %dma_start3A_132 = arith.constant 0 : i32
    %dma_start3A_133 = tpu.memref_slice %arg6[%dma_start3A_129, %dma_start3A_131, %dma_start3A_132] : memref<4x256x64xf32, #tpu.memory_space<vmem>> -> memref<1x256x64xf32, #tpu.memory_space<vmem>>
    %dma_start3A_134 = tpu.memref_squeeze %dma_start3A_133 : memref<1x256x64xf32, #tpu.memory_space<vmem>> -> memref<256x64xf32, #tpu.memory_space<vmem>>
    %dma_start3A_135 = arith.constant 128 : i32
    %dma_start3A_136 = arith.constant 0 : i32
    %dma_start3A_137 = tpu.memref_slice %dma_start3A_134[%dma_start3A_135, %dma_start3A_136] : memref<256x64xf32, #tpu.memory_space<vmem>> -> memref<128x64xf32, #tpu.memory_space<vmem>>
    %dma_start3A_138 = arith.constant 0 : i32
    %dma_start3A_139 = tpu.memref_slice %arg5[%dma_start3A_128, %dma_start3A_138] : memref<200x128xi32, #tpu.memory_space<vmem>> -> memref<1x128xi32, #tpu.memory_space<vmem>>
    %dma_start3A_140 = tpu.memref_squeeze %dma_start3A_139 : memref<1x128xi32, #tpu.memory_space<vmem>> -> memref<128xi32, #tpu.memory_space<vmem>>
    %dma_start3A_141 = arith.constant 0 : i32
    %dma_start3A_142 = arith.constant 0 : i32
    %dma_start3A_143 = tpu.memref_slice %arg3[%dma_start3A_141, %dma_start3A_142] : memref<1002496x64xf32, #tpu.memory_space<hbm>> -> memref<1002496x64xf32, #tpu.memory_space<hbm>>
    %dma_start3A_144 = tpu.memref_slice %arg7[%dma_start3A_130] : memref<4x!tpu.dma_semaphore, #tpu.memory_space<semaphore_mem>> -> memref<1x!tpu.dma_semaphore, #tpu.memory_space<semaphore_mem>>
    %dma_start3A_145 = tpu.memref_squeeze %dma_start3A_144 : memref<1x!tpu.dma_semaphore, #tpu.memory_space<semaphore_mem>> -> memref<!tpu.dma_semaphore, #tpu.memory_space<semaphore_mem>>
    tpu.enqueue_indirect_dma source(%dma_start3A_143 : memref<1002496x64xf32, #tpu.memory_space<hbm>>) target(%dma_start3A_137 : memref<128x64xf32, #tpu.memory_space<vmem>>) offsets(%dma_start3A_140 : memref<128xi32, #tpu.memory_space<vmem>>) semaphore(%dma_start3A_145 : memref<!tpu.dma_semaphore, #tpu.memory_space<semaphore_mem>>)
    %scan3A = arith.constant 0 : i32
    %scan3A_146 = arith.constant 0 : i32
    %scan3A_147 = arith.constant 25 : i32
    %scan3A_148 = arith.addi %scan3A_146, %scan3A_147 : i32
    %scan3A_149 = arith.constant 1 : i32
    scf.for %scan3A_230 = %scan3A_146 to %scan3A_148 step %scan3A_149  : i32 {
      %mul3A_231 = arith.constant 4 : i32
      %mul3A_232 = arith.muli %scan3A_230, %mul3A_231 : i32
      %add3A_233 = arith.constant 0 : i32
      %add3A_234 = arith.addi %mul3A_232, %add3A_233 : i32
      %mul3A_235 = arith.constant 2 : i32
      %mul3A_236 = arith.muli %add3A_234, %mul3A_235 : i32
      %add3A_237 = arith.constant 0 : i32
      %add3A_238 = arith.addi %mul3A_236, %add3A_237 : i32
      %dma_wait3A_239 = arith.constant 0 : i32
      %dma_wait3A_240 = arith.constant 0 : i32
      %dma_wait3A_241 = arith.constant 0 : i32
      %dma_wait3A_242 = arith.constant 0 : i32
      %dma_wait3A_243 = tpu.memref_slice %arg6[%dma_wait3A_239, %dma_wait3A_241, %dma_wait3A_242] : memref<4x256x64xf32, #tpu.memory_space<vmem>> -> memref<1x256x64xf32, #tpu.memory_space<vmem>>
      %dma_wait3A_244 = tpu.memref_squeeze %dma_wait3A_243 : memref<1x256x64xf32, #tpu.memory_space<vmem>> -> memref<256x64xf32, #tpu.memory_space<vmem>>
      %dma_wait3A_245 = arith.constant 0 : i32
      %dma_wait3A_246 = arith.constant 0 : i32
      %dma_wait3A_247 = tpu.memref_slice %dma_wait3A_244[%dma_wait3A_245, %dma_wait3A_246] : memref<256x64xf32, #tpu.memory_space<vmem>> -> memref<128x64xf32, #tpu.memory_space<vmem>>
      %dma_wait3A_248 = arith.constant 0 : i32
      %dma_wait3A_249 = tpu.memref_slice %arg5[%add3A_238, %dma_wait3A_248] : memref<200x128xi32, #tpu.memory_space<vmem>> -> memref<1x128xi32, #tpu.memory_space<vmem>>
      %dma_wait3A_250 = tpu.memref_squeeze %dma_wait3A_249 : memref<1x128xi32, #tpu.memory_space<vmem>> -> memref<128xi32, #tpu.memory_space<vmem>>
      %dma_wait3A_251 = arith.constant 0 : i32
      %dma_wait3A_252 = arith.constant 0 : i32
      %dma_wait3A_253 = tpu.memref_slice %arg3[%dma_wait3A_251, %dma_wait3A_252] : memref<1002496x64xf32, #tpu.memory_space<hbm>> -> memref<1002496x64xf32, #tpu.memory_space<hbm>>
      %dma_wait3A_254 = tpu.memref_slice %arg7[%dma_wait3A_240] : memref<4x!tpu.dma_semaphore, #tpu.memory_space<semaphore_mem>> -> memref<1x!tpu.dma_semaphore, #tpu.memory_space<semaphore_mem>>
      %dma_wait3A_255 = tpu.memref_squeeze %dma_wait3A_254 : memref<1x!tpu.dma_semaphore, #tpu.memory_space<semaphore_mem>> -> memref<!tpu.dma_semaphore, #tpu.memory_space<semaphore_mem>>
      tpu.wait_indirect_dma semaphore(%dma_wait3A_255 : memref<!tpu.dma_semaphore, #tpu.memory_space<semaphore_mem>>) src(%dma_wait3A_253 : memref<1002496x64xf32, #tpu.memory_space<hbm>>) dst(%dma_wait3A_247 : memref<128x64xf32, #tpu.memory_space<vmem>>)
      %mul3A_256 = arith.constant 2 : i32
      %mul3A_257 = arith.muli %add3A_234, %mul3A_256 : i32
      %add3A_258 = arith.constant 1 : i32
      %add3A_259 = arith.addi %mul3A_257, %add3A_258 : i32
      %dma_wait3A_260 = arith.constant 0 : i32
      %dma_wait3A_261 = arith.constant 0 : i32
      %dma_wait3A_262 = arith.constant 0 : i32
      %dma_wait3A_263 = arith.constant 0 : i32
      %dma_wait3A_264 = tpu.memref_slice %arg6[%dma_wait3A_260, %dma_wait3A_262, %dma_wait3A_263] : memref<4x256x64xf32, #tpu.memory_space<vmem>> -> memref<1x256x64xf32, #tpu.memory_space<vmem>>
      %dma_wait3A_265 = tpu.memref_squeeze %dma_wait3A_264 : memref<1x256x64xf32, #tpu.memory_space<vmem>> -> memref<256x64xf32, #tpu.memory_space<vmem>>
      %dma_wait3A_266 = arith.constant 128 : i32
      %dma_wait3A_267 = arith.constant 0 : i32
      %dma_wait3A_268 = tpu.memref_slice %dma_wait3A_265[%dma_wait3A_266, %dma_wait3A_267] : memref<256x64xf32, #tpu.memory_space<vmem>> -> memref<128x64xf32, #tpu.memory_space<vmem>>
      %dma_wait3A_269 = arith.constant 0 : i32
      %dma_wait3A_270 = tpu.memref_slice %arg5[%add3A_259, %dma_wait3A_269] : memref<200x128xi32, #tpu.memory_space<vmem>> -> memref<1x128xi32, #tpu.memory_space<vmem>>
      %dma_wait3A_271 = tpu.memref_squeeze %dma_wait3A_270 : memref<1x128xi32, #tpu.memory_space<vmem>> -> memref<128xi32, #tpu.memory_space<vmem>>
      %dma_wait3A_272 = arith.constant 0 : i32
      %dma_wait3A_273 = arith.constant 0 : i32
      %dma_wait3A_274 = tpu.memref_slice %arg3[%dma_wait3A_272, %dma_wait3A_273] : memref<1002496x64xf32, #tpu.memory_space<hbm>> -> memref<1002496x64xf32, #tpu.memory_space<hbm>>
      %dma_wait3A_275 = tpu.memref_slice %arg7[%dma_wait3A_261] : memref<4x!tpu.dma_semaphore, #tpu.memory_space<semaphore_mem>> -> memref<1x!tpu.dma_semaphore, #tpu.memory_space<semaphore_mem>>
      %dma_wait3A_276 = tpu.memref_squeeze %dma_wait3A_275 : memref<1x!tpu.dma_semaphore, #tpu.memory_space<semaphore_mem>> -> memref<!tpu.dma_semaphore, #tpu.memory_space<semaphore_mem>>
      tpu.wait_indirect_dma semaphore(%dma_wait3A_276 : memref<!tpu.dma_semaphore, #tpu.memory_space<semaphore_mem>>) src(%dma_wait3A_274 : memref<1002496x64xf32, #tpu.memory_space<hbm>>) dst(%dma_wait3A_268 : memref<128x64xf32, #tpu.memory_space<vmem>>)
      %mul3A_277 = arith.constant 128 : i32
      %mul3A_278 = arith.muli %mul3A_2, %mul3A_277 : i32
      %mul3A_279 = arith.constant 256 : i32
      %mul3A_280 = arith.muli %add3A_234, %mul3A_279 : i32
      %add3A_281 = arith.addi %mul3A_278, %mul3A_280 : i32
      %dma_start3A_282 = arith.constant 0 : i32
      %dma_start3A_283 = arith.constant 0 : i32
      %dma_start3A_284 = arith.constant 0 : i32
      %dma_start3A_285 = arith.constant 0 : i32
      %dma_start3A_286 = tpu.memref_slice %arg6[%dma_start3A_282, %dma_start3A_284, %dma_start3A_285] : memref<4x256x64xf32, #tpu.memory_space<vmem>> -> memref<1x256x64xf32, #tpu.memory_space<vmem>>
      %dma_start3A_287 = tpu.memref_squeeze %dma_start3A_286 : memref<1x256x64xf32, #tpu.memory_space<vmem>> -> memref<256x64xf32, #tpu.memory_space<vmem>>
      %dma_start3A_288 = arith.constant 0 : i32
      %dma_start3A_289 = tpu.memref_slice %arg4[%add3A_281, %dma_start3A_288] : memref<819200x128xf32, #tpu.memory_space<hbm>> -> memref<256x64xf32, #tpu.memory_space<hbm>>
      %dma_start3A_290 = tpu.memref_slice %arg8[%dma_start3A_283] : memref<4x!tpu.dma_semaphore, #tpu.memory_space<semaphore_mem>> -> memref<1x!tpu.dma_semaphore, #tpu.memory_space<semaphore_mem>>
      %dma_start3A_291 = tpu.memref_squeeze %dma_start3A_290 : memref<1x!tpu.dma_semaphore, #tpu.memory_space<semaphore_mem>> -> memref<!tpu.dma_semaphore, #tpu.memory_space<semaphore_mem>>
      %dma_start3A_292 = arith.constant 0 : i32
      %dma_start3A_293 = tpu.memref_slice %arg4[%add3A_281, %dma_start3A_292] : memref<819200x128xf32, #tpu.memory_space<hbm>> -> memref<256x64xf32, #tpu.memory_space<hbm>>
      %dma_start3A_294 = arith.constant 0 : i32
      %dma_start3A_295 = arith.constant 0 : i32
      %dma_start3A_296 = tpu.memref_slice %arg6[%dma_start3A_282, %dma_start3A_294, %dma_start3A_295] : memref<4x256x64xf32, #tpu.memory_space<vmem>> -> memref<1x256x64xf32, #tpu.memory_space<vmem>>
      %dma_start3A_297 = tpu.memref_squeeze %dma_start3A_296 : memref<1x256x64xf32, #tpu.memory_space<vmem>> -> memref<256x64xf32, #tpu.memory_space<vmem>>
      tpu.enqueue_dma source(%dma_start3A_297 : memref<256x64xf32, #tpu.memory_space<vmem>>) target(%dma_start3A_293 : memref<256x64xf32, #tpu.memory_space<hbm>>) target_semaphore(%dma_start3A_291 : memref<!tpu.dma_semaphore, #tpu.memory_space<semaphore_mem>>)
      %add3A_298 = arith.constant 4 : i32
      %add3A_299 = arith.addi %add3A_234, %add3A_298 : i32
      %lt3A = arith.constant 100 : i32
      %lt3A_300 = arith.cmpi slt, %add3A_299, %lt3A : i32
      %convert_element_type3A = arith.extui %lt3A_300 : i1 to i32
      %cond3A = arith.constant 0 : i32
      %cond3A_301 = arith.cmpi ne, %convert_element_type3A, %cond3A : i32
      scf.if %cond3A_301 {
        %mul3A_524 = arith.constant 128 : i32
        %mul3A_525 = arith.muli %mul3A_2, %mul3A_524 : i32
        %mul3A_526 = arith.constant 256 : i32
        %mul3A_527 = arith.muli %add3A_234, %mul3A_526 : i32
        %add3A_528 = arith.addi %mul3A_525, %mul3A_527 : i32
        %dma_wait3A_529 = arith.constant 0 : i32
        %dma_wait3A_530 = arith.constant 0 : i32
        %dma_wait3A_531 = arith.constant 0 : i32
        %dma_wait3A_532 = arith.constant 0 : i32
        %dma_wait3A_533 = tpu.memref_slice %arg6[%dma_wait3A_529, %dma_wait3A_531, %dma_wait3A_532] : memref<4x256x64xf32, #tpu.memory_space<vmem>> -> memref<1x256x64xf32, #tpu.memory_space<vmem>>
        %dma_wait3A_534 = tpu.memref_squeeze %dma_wait3A_533 : memref<1x256x64xf32, #tpu.memory_space<vmem>> -> memref<256x64xf32, #tpu.memory_space<vmem>>
        %dma_wait3A_535 = arith.constant 0 : i32
        %dma_wait3A_536 = tpu.memref_slice %arg4[%add3A_528, %dma_wait3A_535] : memref<819200x128xf32, #tpu.memory_space<hbm>> -> memref<256x64xf32, #tpu.memory_space<hbm>>
        %dma_wait3A_537 = tpu.memref_slice %arg8[%dma_wait3A_530] : memref<4x!tpu.dma_semaphore, #tpu.memory_space<semaphore_mem>> -> memref<1x!tpu.dma_semaphore, #tpu.memory_space<semaphore_mem>>
        %dma_wait3A_538 = tpu.memref_squeeze %dma_wait3A_537 : memref<1x!tpu.dma_semaphore, #tpu.memory_space<semaphore_mem>> -> memref<!tpu.dma_semaphore, #tpu.memory_space<semaphore_mem>>
        %dma_wait3A_539 = arith.constant 0 : i32
        %dma_wait3A_540 = tpu.memref_slice %arg4[%add3A_528, %dma_wait3A_539] : memref<819200x128xf32, #tpu.memory_space<hbm>> -> memref<256x64xf32, #tpu.memory_space<hbm>>
        %dma_wait3A_541 = arith.constant 0 : i32
        %dma_wait3A_542 = arith.constant 0 : i32
        %dma_wait3A_543 = tpu.memref_slice %arg6[%dma_wait3A_529, %dma_wait3A_541, %dma_wait3A_542] : memref<4x256x64xf32, #tpu.memory_space<vmem>> -> memref<1x256x64xf32, #tpu.memory_space<vmem>>
        %dma_wait3A_544 = tpu.memref_squeeze %dma_wait3A_543 : memref<1x256x64xf32, #tpu.memory_space<vmem>> -> memref<256x64xf32, #tpu.memory_space<vmem>>
        tpu.wait_dma2 semaphore(%dma_wait3A_538 : memref<!tpu.dma_semaphore, #tpu.memory_space<semaphore_mem>>) src(%dma_wait3A_544 : memref<256x64xf32, #tpu.memory_space<vmem>>) dst(%dma_wait3A_540 : memref<256x64xf32, #tpu.memory_space<hbm>>)
        %mul3A_545 = arith.constant 2 : i32
        %mul3A_546 = arith.muli %add3A_299, %mul3A_545 : i32
        %add3A_547 = arith.constant 0 : i32
        %add3A_548 = arith.addi %mul3A_546, %add3A_547 : i32
        %dma_start3A_549 = arith.constant 0 : i32
        %dma_start3A_550 = arith.constant 0 : i32
        %dma_start3A_551 = arith.constant 0 : i32
        %dma_start3A_552 = arith.constant 0 : i32
        %dma_start3A_553 = tpu.memref_slice %arg6[%dma_start3A_549, %dma_start3A_551, %dma_start3A_552] : memref<4x256x64xf32, #tpu.memory_space<vmem>> -> memref<1x256x64xf32, #tpu.memory_space<vmem>>
        %dma_start3A_554 = tpu.memref_squeeze %dma_start3A_553 : memref<1x256x64xf32, #tpu.memory_space<vmem>> -> memref<256x64xf32, #tpu.memory_space<vmem>>
        %dma_start3A_555 = arith.constant 0 : i32
        %dma_start3A_556 = arith.constant 0 : i32
        %dma_start3A_557 = tpu.memref_slice %dma_start3A_554[%dma_start3A_555, %dma_start3A_556] : memref<256x64xf32, #tpu.memory_space<vmem>> -> memref<128x64xf32, #tpu.memory_space<vmem>>
        %dma_start3A_558 = arith.constant 0 : i32
        %dma_start3A_559 = tpu.memref_slice %arg5[%add3A_548, %dma_start3A_558] : memref<200x128xi32, #tpu.memory_space<vmem>> -> memref<1x128xi32, #tpu.memory_space<vmem>>
        %dma_start3A_560 = tpu.memref_squeeze %dma_start3A_559 : memref<1x128xi32, #tpu.memory_space<vmem>> -> memref<128xi32, #tpu.memory_space<vmem>>
        %dma_start3A_561 = arith.constant 0 : i32
        %dma_start3A_562 = arith.constant 0 : i32
        %dma_start3A_563 = tpu.memref_slice %arg3[%dma_start3A_561, %dma_start3A_562] : memref<1002496x64xf32, #tpu.memory_space<hbm>> -> memref<1002496x64xf32, #tpu.memory_space<hbm>>
        %dma_start3A_564 = tpu.memref_slice %arg7[%dma_start3A_550] : memref<4x!tpu.dma_semaphore, #tpu.memory_space<semaphore_mem>> -> memref<1x!tpu.dma_semaphore, #tpu.memory_space<semaphore_mem>>
        %dma_start3A_565 = tpu.memref_squeeze %dma_start3A_564 : memref<1x!tpu.dma_semaphore, #tpu.memory_space<semaphore_mem>> -> memref<!tpu.dma_semaphore, #tpu.memory_space<semaphore_mem>>
        tpu.enqueue_indirect_dma source(%dma_start3A_563 : memref<1002496x64xf32, #tpu.memory_space<hbm>>) target(%dma_start3A_557 : memref<128x64xf32, #tpu.memory_space<vmem>>) offsets(%dma_start3A_560 : memref<128xi32, #tpu.memory_space<vmem>>) semaphore(%dma_start3A_565 : memref<!tpu.dma_semaphore, #tpu.memory_space<semaphore_mem>>)
        %mul3A_566 = arith.constant 2 : i32
        %mul3A_567 = arith.muli %add3A_299, %mul3A_566 : i32
        %add3A_568 = arith.constant 1 : i32
        %add3A_569 = arith.addi %mul3A_567, %add3A_568 : i32
        %dma_start3A_570 = arith.constant 0 : i32
        %dma_start3A_571 = arith.constant 0 : i32
        %dma_start3A_572 = arith.constant 0 : i32
        %dma_start3A_573 = arith.constant 0 : i32
        %dma_start3A_574 = tpu.memref_slice %arg6[%dma_start3A_570, %dma_start3A_572, %dma_start3A_573] : memref<4x256x64xf32, #tpu.memory_space<vmem>> -> memref<1x256x64xf32, #tpu.memory_space<vmem>>
        %dma_start3A_575 = tpu.memref_squeeze %dma_start3A_574 : memref<1x256x64xf32, #tpu.memory_space<vmem>> -> memref<256x64xf32, #tpu.memory_space<vmem>>
        %dma_start3A_576 = arith.constant 128 : i32
        %dma_start3A_577 = arith.constant 0 : i32
        %dma_start3A_578 = tpu.memref_slice %dma_start3A_575[%dma_start3A_576, %dma_start3A_577] : memref<256x64xf32, #tpu.memory_space<vmem>> -> memref<128x64xf32, #tpu.memory_space<vmem>>
        %dma_start3A_579 = arith.constant 0 : i32
        %dma_start3A_580 = tpu.memref_slice %arg5[%add3A_569, %dma_start3A_579] : memref<200x128xi32, #tpu.memory_space<vmem>> -> memref<1x128xi32, #tpu.memory_space<vmem>>
        %dma_start3A_581 = tpu.memref_squeeze %dma_start3A_580 : memref<1x128xi32, #tpu.memory_space<vmem>> -> memref<128xi32, #tpu.memory_space<vmem>>
        %dma_start3A_582 = arith.constant 0 : i32
        %dma_start3A_583 = arith.constant 0 : i32
        %dma_start3A_584 = tpu.memref_slice %arg3[%dma_start3A_582, %dma_start3A_583] : memref<1002496x64xf32, #tpu.memory_space<hbm>> -> memref<1002496x64xf32, #tpu.memory_space<hbm>>
        %dma_start3A_585 = tpu.memref_slice %arg7[%dma_start3A_571] : memref<4x!tpu.dma_semaphore, #tpu.memory_space<semaphore_mem>> -> memref<1x!tpu.dma_semaphore, #tpu.memory_space<semaphore_mem>>
        %dma_start3A_586 = tpu.memref_squeeze %dma_start3A_585 : memref<1x!tpu.dma_semaphore, #tpu.memory_space<semaphore_mem>> -> memref<!tpu.dma_semaphore, #tpu.memory_space<semaphore_mem>>
        tpu.enqueue_indirect_dma source(%dma_start3A_584 : memref<1002496x64xf32, #tpu.memory_space<hbm>>) target(%dma_start3A_578 : memref<128x64xf32, #tpu.memory_space<vmem>>) offsets(%dma_start3A_581 : memref<128xi32, #tpu.memory_space<vmem>>) semaphore(%dma_start3A_586 : memref<!tpu.dma_semaphore, #tpu.memory_space<semaphore_mem>>)
      } else {
      }
      %mul3A_302 = arith.constant 4 : i32
      %mul3A_303 = arith.muli %scan3A_230, %mul3A_302 : i32
      %add3A_304 = arith.constant 1 : i32
      %add3A_305 = arith.addi %mul3A_303, %add3A_304 : i32
      %mul3A_306 = arith.constant 2 : i32
      %mul3A_307 = arith.muli %add3A_305, %mul3A_306 : i32
      %add3A_308 = arith.constant 0 : i32
      %add3A_309 = arith.addi %mul3A_307, %add3A_308 : i32
      %dma_wait3A_310 = arith.constant 1 : i32
      %dma_wait3A_311 = arith.constant 1 : i32
      %dma_wait3A_312 = arith.constant 0 : i32
      %dma_wait3A_313 = arith.constant 0 : i32
      %dma_wait3A_314 = tpu.memref_slice %arg6[%dma_wait3A_310, %dma_wait3A_312, %dma_wait3A_313] : memref<4x256x64xf32, #tpu.memory_space<vmem>> -> memref<1x256x64xf32, #tpu.memory_space<vmem>>
      %dma_wait3A_315 = tpu.memref_squeeze %dma_wait3A_314 : memref<1x256x64xf32, #tpu.memory_space<vmem>> -> memref<256x64xf32, #tpu.memory_space<vmem>>
      %dma_wait3A_316 = arith.constant 0 : i32
      %dma_wait3A_317 = arith.constant 0 : i32
      %dma_wait3A_318 = tpu.memref_slice %dma_wait3A_315[%dma_wait3A_316, %dma_wait3A_317] : memref<256x64xf32, #tpu.memory_space<vmem>> -> memref<128x64xf32, #tpu.memory_space<vmem>>
      %dma_wait3A_319 = arith.constant 0 : i32
      %dma_wait3A_320 = tpu.memref_slice %arg5[%add3A_309, %dma_wait3A_319] : memref<200x128xi32, #tpu.memory_space<vmem>> -> memref<1x128xi32, #tpu.memory_space<vmem>>
      %dma_wait3A_321 = tpu.memref_squeeze %dma_wait3A_320 : memref<1x128xi32, #tpu.memory_space<vmem>> -> memref<128xi32, #tpu.memory_space<vmem>>
      %dma_wait3A_322 = arith.constant 0 : i32
      %dma_wait3A_323 = arith.constant 0 : i32
      %dma_wait3A_324 = tpu.memref_slice %arg3[%dma_wait3A_322, %dma_wait3A_323] : memref<1002496x64xf32, #tpu.memory_space<hbm>> -> memref<1002496x64xf32, #tpu.memory_space<hbm>>
      %dma_wait3A_325 = tpu.memref_slice %arg7[%dma_wait3A_311] : memref<4x!tpu.dma_semaphore, #tpu.memory_space<semaphore_mem>> -> memref<1x!tpu.dma_semaphore, #tpu.memory_space<semaphore_mem>>
      %dma_wait3A_326 = tpu.memref_squeeze %dma_wait3A_325 : memref<1x!tpu.dma_semaphore, #tpu.memory_space<semaphore_mem>> -> memref<!tpu.dma_semaphore, #tpu.memory_space<semaphore_mem>>
      tpu.wait_indirect_dma semaphore(%dma_wait3A_326 : memref<!tpu.dma_semaphore, #tpu.memory_space<semaphore_mem>>) src(%dma_wait3A_324 : memref<1002496x64xf32, #tpu.memory_space<hbm>>) dst(%dma_wait3A_318 : memref<128x64xf32, #tpu.memory_space<vmem>>)
      %mul3A_327 = arith.constant 2 : i32
      %mul3A_328 = arith.muli %add3A_305, %mul3A_327 : i32
      %add3A_329 = arith.constant 1 : i32
      %add3A_330 = arith.addi %mul3A_328, %add3A_329 : i32
      %dma_wait3A_331 = arith.constant 1 : i32
      %dma_wait3A_332 = arith.constant 1 : i32
      %dma_wait3A_333 = arith.constant 0 : i32
      %dma_wait3A_334 = arith.constant 0 : i32
      %dma_wait3A_335 = tpu.memref_slice %arg6[%dma_wait3A_331, %dma_wait3A_333, %dma_wait3A_334] : memref<4x256x64xf32, #tpu.memory_space<vmem>> -> memref<1x256x64xf32, #tpu.memory_space<vmem>>
      %dma_wait3A_336 = tpu.memref_squeeze %dma_wait3A_335 : memref<1x256x64xf32, #tpu.memory_space<vmem>> -> memref<256x64xf32, #tpu.memory_space<vmem>>
      %dma_wait3A_337 = arith.constant 128 : i32
      %dma_wait3A_338 = arith.constant 0 : i32
      %dma_wait3A_339 = tpu.memref_slice %dma_wait3A_336[%dma_wait3A_337, %dma_wait3A_338] : memref<256x64xf32, #tpu.memory_space<vmem>> -> memref<128x64xf32, #tpu.memory_space<vmem>>
      %dma_wait3A_340 = arith.constant 0 : i32
      %dma_wait3A_341 = tpu.memref_slice %arg5[%add3A_330, %dma_wait3A_340] : memref<200x128xi32, #tpu.memory_space<vmem>> -> memref<1x128xi32, #tpu.memory_space<vmem>>
      %dma_wait3A_342 = tpu.memref_squeeze %dma_wait3A_341 : memref<1x128xi32, #tpu.memory_space<vmem>> -> memref<128xi32, #tpu.memory_space<vmem>>
      %dma_wait3A_343 = arith.constant 0 : i32
      %dma_wait3A_344 = arith.constant 0 : i32
      %dma_wait3A_345 = tpu.memref_slice %arg3[%dma_wait3A_343, %dma_wait3A_344] : memref<1002496x64xf32, #tpu.memory_space<hbm>> -> memref<1002496x64xf32, #tpu.memory_space<hbm>>
      %dma_wait3A_346 = tpu.memref_slice %arg7[%dma_wait3A_332] : memref<4x!tpu.dma_semaphore, #tpu.memory_space<semaphore_mem>> -> memref<1x!tpu.dma_semaphore, #tpu.memory_space<semaphore_mem>>
      %dma_wait3A_347 = tpu.memref_squeeze %dma_wait3A_346 : memref<1x!tpu.dma_semaphore, #tpu.memory_space<semaphore_mem>> -> memref<!tpu.dma_semaphore, #tpu.memory_space<semaphore_mem>>
      tpu.wait_indirect_dma semaphore(%dma_wait3A_347 : memref<!tpu.dma_semaphore, #tpu.memory_space<semaphore_mem>>) src(%dma_wait3A_345 : memref<1002496x64xf32, #tpu.memory_space<hbm>>) dst(%dma_wait3A_339 : memref<128x64xf32, #tpu.memory_space<vmem>>)
      %mul3A_348 = arith.constant 128 : i32
      %mul3A_349 = arith.muli %mul3A_2, %mul3A_348 : i32
      %mul3A_350 = arith.constant 256 : i32
      %mul3A_351 = arith.muli %add3A_305, %mul3A_350 : i32
      %add3A_352 = arith.addi %mul3A_349, %mul3A_351 : i32
      %dma_start3A_353 = arith.constant 1 : i32
      %dma_start3A_354 = arith.constant 1 : i32
      %dma_start3A_355 = arith.constant 0 : i32
      %dma_start3A_356 = arith.constant 0 : i32
      %dma_start3A_357 = tpu.memref_slice %arg6[%dma_start3A_353, %dma_start3A_355, %dma_start3A_356] : memref<4x256x64xf32, #tpu.memory_space<vmem>> -> memref<1x256x64xf32, #tpu.memory_space<vmem>>
      %dma_start3A_358 = tpu.memref_squeeze %dma_start3A_357 : memref<1x256x64xf32, #tpu.memory_space<vmem>> -> memref<256x64xf32, #tpu.memory_space<vmem>>
      %dma_start3A_359 = arith.constant 0 : i32
      %dma_start3A_360 = tpu.memref_slice %arg4[%add3A_352, %dma_start3A_359] : memref<819200x128xf32, #tpu.memory_space<hbm>> -> memref<256x64xf32, #tpu.memory_space<hbm>>
      %dma_start3A_361 = tpu.memref_slice %arg8[%dma_start3A_354] : memref<4x!tpu.dma_semaphore, #tpu.memory_space<semaphore_mem>> -> memref<1x!tpu.dma_semaphore, #tpu.memory_space<semaphore_mem>>
      %dma_start3A_362 = tpu.memref_squeeze %dma_start3A_361 : memref<1x!tpu.dma_semaphore, #tpu.memory_space<semaphore_mem>> -> memref<!tpu.dma_semaphore, #tpu.memory_space<semaphore_mem>>
      %dma_start3A_363 = arith.constant 0 : i32
      %dma_start3A_364 = tpu.memref_slice %arg4[%add3A_352, %dma_start3A_363] : memref<819200x128xf32, #tpu.memory_space<hbm>> -> memref<256x64xf32, #tpu.memory_space<hbm>>
      %dma_start3A_365 = arith.constant 0 : i32
      %dma_start3A_366 = arith.constant 0 : i32
      %dma_start3A_367 = tpu.memref_slice %arg6[%dma_start3A_353, %dma_start3A_365, %dma_start3A_366] : memref<4x256x64xf32, #tpu.memory_space<vmem>> -> memref<1x256x64xf32, #tpu.memory_space<vmem>>
      %dma_start3A_368 = tpu.memref_squeeze %dma_start3A_367 : memref<1x256x64xf32, #tpu.memory_space<vmem>> -> memref<256x64xf32, #tpu.memory_space<vmem>>
      tpu.enqueue_dma source(%dma_start3A_368 : memref<256x64xf32, #tpu.memory_space<vmem>>) target(%dma_start3A_364 : memref<256x64xf32, #tpu.memory_space<hbm>>) target_semaphore(%dma_start3A_362 : memref<!tpu.dma_semaphore, #tpu.memory_space<semaphore_mem>>)
      %add3A_369 = arith.constant 4 : i32
      %add3A_370 = arith.addi %add3A_305, %add3A_369 : i32
      %lt3A_371 = arith.constant 100 : i32
      %lt3A_372 = arith.cmpi slt, %add3A_370, %lt3A_371 : i32
      %convert_element_type3A_373 = arith.extui %lt3A_372 : i1 to i32
      %cond3A_374 = arith.constant 0 : i32
      %cond3A_375 = arith.cmpi ne, %convert_element_type3A_373, %cond3A_374 : i32
      scf.if %cond3A_375 {
        %mul3A_524 = arith.constant 128 : i32
        %mul3A_525 = arith.muli %mul3A_2, %mul3A_524 : i32
        %mul3A_526 = arith.constant 256 : i32
        %mul3A_527 = arith.muli %add3A_305, %mul3A_526 : i32
        %add3A_528 = arith.addi %mul3A_525, %mul3A_527 : i32
        %dma_wait3A_529 = arith.constant 1 : i32
        %dma_wait3A_530 = arith.constant 1 : i32
        %dma_wait3A_531 = arith.constant 0 : i32
        %dma_wait3A_532 = arith.constant 0 : i32
        %dma_wait3A_533 = tpu.memref_slice %arg6[%dma_wait3A_529, %dma_wait3A_531, %dma_wait3A_532] : memref<4x256x64xf32, #tpu.memory_space<vmem>> -> memref<1x256x64xf32, #tpu.memory_space<vmem>>
        %dma_wait3A_534 = tpu.memref_squeeze %dma_wait3A_533 : memref<1x256x64xf32, #tpu.memory_space<vmem>> -> memref<256x64xf32, #tpu.memory_space<vmem>>
        %dma_wait3A_535 = arith.constant 0 : i32
        %dma_wait3A_536 = tpu.memref_slice %arg4[%add3A_528, %dma_wait3A_535] : memref<819200x128xf32, #tpu.memory_space<hbm>> -> memref<256x64xf32, #tpu.memory_space<hbm>>
        %dma_wait3A_537 = tpu.memref_slice %arg8[%dma_wait3A_530] : memref<4x!tpu.dma_semaphore, #tpu.memory_space<semaphore_mem>> -> memref<1x!tpu.dma_semaphore, #tpu.memory_space<semaphore_mem>>
        %dma_wait3A_538 = tpu.memref_squeeze %dma_wait3A_537 : memref<1x!tpu.dma_semaphore, #tpu.memory_space<semaphore_mem>> -> memref<!tpu.dma_semaphore, #tpu.memory_space<semaphore_mem>>
        %dma_wait3A_539 = arith.constant 0 : i32
        %dma_wait3A_540 = tpu.memref_slice %arg4[%add3A_528, %dma_wait3A_539] : memref<819200x128xf32, #tpu.memory_space<hbm>> -> memref<256x64xf32, #tpu.memory_space<hbm>>
        %dma_wait3A_541 = arith.constant 0 : i32
        %dma_wait3A_542 = arith.constant 0 : i32
        %dma_wait3A_543 = tpu.memref_slice %arg6[%dma_wait3A_529, %dma_wait3A_541, %dma_wait3A_542] : memref<4x256x64xf32, #tpu.memory_space<vmem>> -> memref<1x256x64xf32, #tpu.memory_space<vmem>>
        %dma_wait3A_544 = tpu.memref_squeeze %dma_wait3A_543 : memref<1x256x64xf32, #tpu.memory_space<vmem>> -> memref<256x64xf32, #tpu.memory_space<vmem>>
        tpu.wait_dma2 semaphore(%dma_wait3A_538 : memref<!tpu.dma_semaphore, #tpu.memory_space<semaphore_mem>>) src(%dma_wait3A_544 : memref<256x64xf32, #tpu.memory_space<vmem>>) dst(%dma_wait3A_540 : memref<256x64xf32, #tpu.memory_space<hbm>>)
        %mul3A_545 = arith.constant 2 : i32
        %mul3A_546 = arith.muli %add3A_370, %mul3A_545 : i32
        %add3A_547 = arith.constant 0 : i32
        %add3A_548 = arith.addi %mul3A_546, %add3A_547 : i32
        %dma_start3A_549 = arith.constant 1 : i32
        %dma_start3A_550 = arith.constant 1 : i32
        %dma_start3A_551 = arith.constant 0 : i32
        %dma_start3A_552 = arith.constant 0 : i32
        %dma_start3A_553 = tpu.memref_slice %arg6[%dma_start3A_549, %dma_start3A_551, %dma_start3A_552] : memref<4x256x64xf32, #tpu.memory_space<vmem>> -> memref<1x256x64xf32, #tpu.memory_space<vmem>>
        %dma_start3A_554 = tpu.memref_squeeze %dma_start3A_553 : memref<1x256x64xf32, #tpu.memory_space<vmem>> -> memref<256x64xf32, #tpu.memory_space<vmem>>
        %dma_start3A_555 = arith.constant 0 : i32
        %dma_start3A_556 = arith.constant 0 : i32
        %dma_start3A_557 = tpu.memref_slice %dma_start3A_554[%dma_start3A_555, %dma_start3A_556] : memref<256x64xf32, #tpu.memory_space<vmem>> -> memref<128x64xf32, #tpu.memory_space<vmem>>
        %dma_start3A_558 = arith.constant 0 : i32
        %dma_start3A_559 = tpu.memref_slice %arg5[%add3A_548, %dma_start3A_558] : memref<200x128xi32, #tpu.memory_space<vmem>> -> memref<1x128xi32, #tpu.memory_space<vmem>>
        %dma_start3A_560 = tpu.memref_squeeze %dma_start3A_559 : memref<1x128xi32, #tpu.memory_space<vmem>> -> memref<128xi32, #tpu.memory_space<vmem>>
        %dma_start3A_561 = arith.constant 0 : i32
        %dma_start3A_562 = arith.constant 0 : i32
        %dma_start3A_563 = tpu.memref_slice %arg3[%dma_start3A_561, %dma_start3A_562] : memref<1002496x64xf32, #tpu.memory_space<hbm>> -> memref<1002496x64xf32, #tpu.memory_space<hbm>>
        %dma_start3A_564 = tpu.memref_slice %arg7[%dma_start3A_550] : memref<4x!tpu.dma_semaphore, #tpu.memory_space<semaphore_mem>> -> memref<1x!tpu.dma_semaphore, #tpu.memory_space<semaphore_mem>>
        %dma_start3A_565 = tpu.memref_squeeze %dma_start3A_564 : memref<1x!tpu.dma_semaphore, #tpu.memory_space<semaphore_mem>> -> memref<!tpu.dma_semaphore, #tpu.memory_space<semaphore_mem>>
        tpu.enqueue_indirect_dma source(%dma_start3A_563 : memref<1002496x64xf32, #tpu.memory_space<hbm>>) target(%dma_start3A_557 : memref<128x64xf32, #tpu.memory_space<vmem>>) offsets(%dma_start3A_560 : memref<128xi32, #tpu.memory_space<vmem>>) semaphore(%dma_start3A_565 : memref<!tpu.dma_semaphore, #tpu.memory_space<semaphore_mem>>)
        %mul3A_566 = arith.constant 2 : i32
        %mul3A_567 = arith.muli %add3A_370, %mul3A_566 : i32
        %add3A_568 = arith.constant 1 : i32
        %add3A_569 = arith.addi %mul3A_567, %add3A_568 : i32
        %dma_start3A_570 = arith.constant 1 : i32
        %dma_start3A_571 = arith.constant 1 : i32
        %dma_start3A_572 = arith.constant 0 : i32
        %dma_start3A_573 = arith.constant 0 : i32
        %dma_start3A_574 = tpu.memref_slice %arg6[%dma_start3A_570, %dma_start3A_572, %dma_start3A_573] : memref<4x256x64xf32, #tpu.memory_space<vmem>> -> memref<1x256x64xf32, #tpu.memory_space<vmem>>
        %dma_start3A_575 = tpu.memref_squeeze %dma_start3A_574 : memref<1x256x64xf32, #tpu.memory_space<vmem>> -> memref<256x64xf32, #tpu.memory_space<vmem>>
        %dma_start3A_576 = arith.constant 128 : i32
        %dma_start3A_577 = arith.constant 0 : i32
        %dma_start3A_578 = tpu.memref_slice %dma_start3A_575[%dma_start3A_576, %dma_start3A_577] : memref<256x64xf32, #tpu.memory_space<vmem>> -> memref<128x64xf32, #tpu.memory_space<vmem>>
        %dma_start3A_579 = arith.constant 0 : i32
        %dma_start3A_580 = tpu.memref_slice %arg5[%add3A_569, %dma_start3A_579] : memref<200x128xi32, #tpu.memory_space<vmem>> -> memref<1x128xi32, #tpu.memory_space<vmem>>
        %dma_start3A_581 = tpu.memref_squeeze %dma_start3A_580 : memref<1x128xi32, #tpu.memory_space<vmem>> -> memref<128xi32, #tpu.memory_space<vmem>>
        %dma_start3A_582 = arith.constant 0 : i32
        %dma_start3A_583 = arith.constant 0 : i32
        %dma_start3A_584 = tpu.memref_slice %arg3[%dma_start3A_582, %dma_start3A_583] : memref<1002496x64xf32, #tpu.memory_space<hbm>> -> memref<1002496x64xf32, #tpu.memory_space<hbm>>
        %dma_start3A_585 = tpu.memref_slice %arg7[%dma_start3A_571] : memref<4x!tpu.dma_semaphore, #tpu.memory_space<semaphore_mem>> -> memref<1x!tpu.dma_semaphore, #tpu.memory_space<semaphore_mem>>
        %dma_start3A_586 = tpu.memref_squeeze %dma_start3A_585 : memref<1x!tpu.dma_semaphore, #tpu.memory_space<semaphore_mem>> -> memref<!tpu.dma_semaphore, #tpu.memory_space<semaphore_mem>>
        tpu.enqueue_indirect_dma source(%dma_start3A_584 : memref<1002496x64xf32, #tpu.memory_space<hbm>>) target(%dma_start3A_578 : memref<128x64xf32, #tpu.memory_space<vmem>>) offsets(%dma_start3A_581 : memref<128xi32, #tpu.memory_space<vmem>>) semaphore(%dma_start3A_586 : memref<!tpu.dma_semaphore, #tpu.memory_space<semaphore_mem>>)
      } else {
      }
      %mul3A_376 = arith.constant 4 : i32
      %mul3A_377 = arith.muli %scan3A_230, %mul3A_376 : i32
      %add3A_378 = arith.constant 2 : i32
      %add3A_379 = arith.addi %mul3A_377, %add3A_378 : i32
      %mul3A_380 = arith.constant 2 : i32
      %mul3A_381 = arith.muli %add3A_379, %mul3A_380 : i32
      %add3A_382 = arith.constant 0 : i32
      %add3A_383 = arith.addi %mul3A_381, %add3A_382 : i32
      %dma_wait3A_384 = arith.constant 2 : i32
      %dma_wait3A_385 = arith.constant 2 : i32
      %dma_wait3A_386 = arith.constant 0 : i32
      %dma_wait3A_387 = arith.constant 0 : i32
      %dma_wait3A_388 = tpu.memref_slice %arg6[%dma_wait3A_384, %dma_wait3A_386, %dma_wait3A_387] : memref<4x256x64xf32, #tpu.memory_space<vmem>> -> memref<1x256x64xf32, #tpu.memory_space<vmem>>
      %dma_wait3A_389 = tpu.memref_squeeze %dma_wait3A_388 : memref<1x256x64xf32, #tpu.memory_space<vmem>> -> memref<256x64xf32, #tpu.memory_space<vmem>>
      %dma_wait3A_390 = arith.constant 0 : i32
      %dma_wait3A_391 = arith.constant 0 : i32
      %dma_wait3A_392 = tpu.memref_slice %dma_wait3A_389[%dma_wait3A_390, %dma_wait3A_391] : memref<256x64xf32, #tpu.memory_space<vmem>> -> memref<128x64xf32, #tpu.memory_space<vmem>>
      %dma_wait3A_393 = arith.constant 0 : i32
      %dma_wait3A_394 = tpu.memref_slice %arg5[%add3A_383, %dma_wait3A_393] : memref<200x128xi32, #tpu.memory_space<vmem>> -> memref<1x128xi32, #tpu.memory_space<vmem>>
      %dma_wait3A_395 = tpu.memref_squeeze %dma_wait3A_394 : memref<1x128xi32, #tpu.memory_space<vmem>> -> memref<128xi32, #tpu.memory_space<vmem>>
      %dma_wait3A_396 = arith.constant 0 : i32
      %dma_wait3A_397 = arith.constant 0 : i32
      %dma_wait3A_398 = tpu.memref_slice %arg3[%dma_wait3A_396, %dma_wait3A_397] : memref<1002496x64xf32, #tpu.memory_space<hbm>> -> memref<1002496x64xf32, #tpu.memory_space<hbm>>
      %dma_wait3A_399 = tpu.memref_slice %arg7[%dma_wait3A_385] : memref<4x!tpu.dma_semaphore, #tpu.memory_space<semaphore_mem>> -> memref<1x!tpu.dma_semaphore, #tpu.memory_space<semaphore_mem>>
      %dma_wait3A_400 = tpu.memref_squeeze %dma_wait3A_399 : memref<1x!tpu.dma_semaphore, #tpu.memory_space<semaphore_mem>> -> memref<!tpu.dma_semaphore, #tpu.memory_space<semaphore_mem>>
      tpu.wait_indirect_dma semaphore(%dma_wait3A_400 : memref<!tpu.dma_semaphore, #tpu.memory_space<semaphore_mem>>) src(%dma_wait3A_398 : memref<1002496x64xf32, #tpu.memory_space<hbm>>) dst(%dma_wait3A_392 : memref<128x64xf32, #tpu.memory_space<vmem>>)
      %mul3A_401 = arith.constant 2 : i32
      %mul3A_402 = arith.muli %add3A_379, %mul3A_401 : i32
      %add3A_403 = arith.constant 1 : i32
      %add3A_404 = arith.addi %mul3A_402, %add3A_403 : i32
      %dma_wait3A_405 = arith.constant 2 : i32
      %dma_wait3A_406 = arith.constant 2 : i32
      %dma_wait3A_407 = arith.constant 0 : i32
      %dma_wait3A_408 = arith.constant 0 : i32
      %dma_wait3A_409 = tpu.memref_slice %arg6[%dma_wait3A_405, %dma_wait3A_407, %dma_wait3A_408] : memref<4x256x64xf32, #tpu.memory_space<vmem>> -> memref<1x256x64xf32, #tpu.memory_space<vmem>>
      %dma_wait3A_410 = tpu.memref_squeeze %dma_wait3A_409 : memref<1x256x64xf32, #tpu.memory_space<vmem>> -> memref<256x64xf32, #tpu.memory_space<vmem>>
      %dma_wait3A_411 = arith.constant 128 : i32
      %dma_wait3A_412 = arith.constant 0 : i32
      %dma_wait3A_413 = tpu.memref_slice %dma_wait3A_410[%dma_wait3A_411, %dma_wait3A_412] : memref<256x64xf32, #tpu.memory_space<vmem>> -> memref<128x64xf32, #tpu.memory_space<vmem>>
      %dma_wait3A_414 = arith.constant 0 : i32
      %dma_wait3A_415 = tpu.memref_slice %arg5[%add3A_404, %dma_wait3A_414] : memref<200x128xi32, #tpu.memory_space<vmem>> -> memref<1x128xi32, #tpu.memory_space<vmem>>
      %dma_wait3A_416 = tpu.memref_squeeze %dma_wait3A_415 : memref<1x128xi32, #tpu.memory_space<vmem>> -> memref<128xi32, #tpu.memory_space<vmem>>
      %dma_wait3A_417 = arith.constant 0 : i32
      %dma_wait3A_418 = arith.constant 0 : i32
      %dma_wait3A_419 = tpu.memref_slice %arg3[%dma_wait3A_417, %dma_wait3A_418] : memref<1002496x64xf32, #tpu.memory_space<hbm>> -> memref<1002496x64xf32, #tpu.memory_space<hbm>>
      %dma_wait3A_420 = tpu.memref_slice %arg7[%dma_wait3A_406] : memref<4x!tpu.dma_semaphore, #tpu.memory_space<semaphore_mem>> -> memref<1x!tpu.dma_semaphore, #tpu.memory_space<semaphore_mem>>
      %dma_wait3A_421 = tpu.memref_squeeze %dma_wait3A_420 : memref<1x!tpu.dma_semaphore, #tpu.memory_space<semaphore_mem>> -> memref<!tpu.dma_semaphore, #tpu.memory_space<semaphore_mem>>
      tpu.wait_indirect_dma semaphore(%dma_wait3A_421 : memref<!tpu.dma_semaphore, #tpu.memory_space<semaphore_mem>>) src(%dma_wait3A_419 : memref<1002496x64xf32, #tpu.memory_space<hbm>>) dst(%dma_wait3A_413 : memref<128x64xf32, #tpu.memory_space<vmem>>)
      %mul3A_422 = arith.constant 128 : i32
      %mul3A_423 = arith.muli %mul3A_2, %mul3A_422 : i32
      %mul3A_424 = arith.constant 256 : i32
      %mul3A_425 = arith.muli %add3A_379, %mul3A_424 : i32
      %add3A_426 = arith.addi %mul3A_423, %mul3A_425 : i32
      %dma_start3A_427 = arith.constant 2 : i32
      %dma_start3A_428 = arith.constant 2 : i32
      %dma_start3A_429 = arith.constant 0 : i32
      %dma_start3A_430 = arith.constant 0 : i32
      %dma_start3A_431 = tpu.memref_slice %arg6[%dma_start3A_427, %dma_start3A_429, %dma_start3A_430] : memref<4x256x64xf32, #tpu.memory_space<vmem>> -> memref<1x256x64xf32, #tpu.memory_space<vmem>>
      %dma_start3A_432 = tpu.memref_squeeze %dma_start3A_431 : memref<1x256x64xf32, #tpu.memory_space<vmem>> -> memref<256x64xf32, #tpu.memory_space<vmem>>
      %dma_start3A_433 = arith.constant 0 : i32
      %dma_start3A_434 = tpu.memref_slice %arg4[%add3A_426, %dma_start3A_433] : memref<819200x128xf32, #tpu.memory_space<hbm>> -> memref<256x64xf32, #tpu.memory_space<hbm>>
      %dma_start3A_435 = tpu.memref_slice %arg8[%dma_start3A_428] : memref<4x!tpu.dma_semaphore, #tpu.memory_space<semaphore_mem>> -> memref<1x!tpu.dma_semaphore, #tpu.memory_space<semaphore_mem>>
      %dma_start3A_436 = tpu.memref_squeeze %dma_start3A_435 : memref<1x!tpu.dma_semaphore, #tpu.memory_space<semaphore_mem>> -> memref<!tpu.dma_semaphore, #tpu.memory_space<semaphore_mem>>
      %dma_start3A_437 = arith.constant 0 : i32
      %dma_start3A_438 = tpu.memref_slice %arg4[%add3A_426, %dma_start3A_437] : memref<819200x128xf32, #tpu.memory_space<hbm>> -> memref<256x64xf32, #tpu.memory_space<hbm>>
      %dma_start3A_439 = arith.constant 0 : i32
      %dma_start3A_440 = arith.constant 0 : i32
      %dma_start3A_441 = tpu.memref_slice %arg6[%dma_start3A_427, %dma_start3A_439, %dma_start3A_440] : memref<4x256x64xf32, #tpu.memory_space<vmem>> -> memref<1x256x64xf32, #tpu.memory_space<vmem>>
      %dma_start3A_442 = tpu.memref_squeeze %dma_start3A_441 : memref<1x256x64xf32, #tpu.memory_space<vmem>> -> memref<256x64xf32, #tpu.memory_space<vmem>>
      tpu.enqueue_dma source(%dma_start3A_442 : memref<256x64xf32, #tpu.memory_space<vmem>>) target(%dma_start3A_438 : memref<256x64xf32, #tpu.memory_space<hbm>>) target_semaphore(%dma_start3A_436 : memref<!tpu.dma_semaphore, #tpu.memory_space<semaphore_mem>>)
      %add3A_443 = arith.constant 4 : i32
      %add3A_444 = arith.addi %add3A_379, %add3A_443 : i32
      %lt3A_445 = arith.constant 100 : i32
      %lt3A_446 = arith.cmpi slt, %add3A_444, %lt3A_445 : i32
      %convert_element_type3A_447 = arith.extui %lt3A_446 : i1 to i32
      %cond3A_448 = arith.constant 0 : i32
      %cond3A_449 = arith.cmpi ne, %convert_element_type3A_447, %cond3A_448 : i32
      scf.if %cond3A_449 {
        %mul3A_524 = arith.constant 128 : i32
        %mul3A_525 = arith.muli %mul3A_2, %mul3A_524 : i32
        %mul3A_526 = arith.constant 256 : i32
        %mul3A_527 = arith.muli %add3A_379, %mul3A_526 : i32
        %add3A_528 = arith.addi %mul3A_525, %mul3A_527 : i32
        %dma_wait3A_529 = arith.constant 2 : i32
        %dma_wait3A_530 = arith.constant 2 : i32
        %dma_wait3A_531 = arith.constant 0 : i32
        %dma_wait3A_532 = arith.constant 0 : i32
        %dma_wait3A_533 = tpu.memref_slice %arg6[%dma_wait3A_529, %dma_wait3A_531, %dma_wait3A_532] : memref<4x256x64xf32, #tpu.memory_space<vmem>> -> memref<1x256x64xf32, #tpu.memory_space<vmem>>
        %dma_wait3A_534 = tpu.memref_squeeze %dma_wait3A_533 : memref<1x256x64xf32, #tpu.memory_space<vmem>> -> memref<256x64xf32, #tpu.memory_space<vmem>>
        %dma_wait3A_535 = arith.constant 0 : i32
        %dma_wait3A_536 = tpu.memref_slice %arg4[%add3A_528, %dma_wait3A_535] : memref<819200x128xf32, #tpu.memory_space<hbm>> -> memref<256x64xf32, #tpu.memory_space<hbm>>
        %dma_wait3A_537 = tpu.memref_slice %arg8[%dma_wait3A_530] : memref<4x!tpu.dma_semaphore, #tpu.memory_space<semaphore_mem>> -> memref<1x!tpu.dma_semaphore, #tpu.memory_space<semaphore_mem>>
        %dma_wait3A_538 = tpu.memref_squeeze %dma_wait3A_537 : memref<1x!tpu.dma_semaphore, #tpu.memory_space<semaphore_mem>> -> memref<!tpu.dma_semaphore, #tpu.memory_space<semaphore_mem>>
        %dma_wait3A_539 = arith.constant 0 : i32
        %dma_wait3A_540 = tpu.memref_slice %arg4[%add3A_528, %dma_wait3A_539] : memref<819200x128xf32, #tpu.memory_space<hbm>> -> memref<256x64xf32, #tpu.memory_space<hbm>>
        %dma_wait3A_541 = arith.constant 0 : i32
        %dma_wait3A_542 = arith.constant 0 : i32
        %dma_wait3A_543 = tpu.memref_slice %arg6[%dma_wait3A_529, %dma_wait3A_541, %dma_wait3A_542] : memref<4x256x64xf32, #tpu.memory_space<vmem>> -> memref<1x256x64xf32, #tpu.memory_space<vmem>>
        %dma_wait3A_544 = tpu.memref_squeeze %dma_wait3A_543 : memref<1x256x64xf32, #tpu.memory_space<vmem>> -> memref<256x64xf32, #tpu.memory_space<vmem>>
        tpu.wait_dma2 semaphore(%dma_wait3A_538 : memref<!tpu.dma_semaphore, #tpu.memory_space<semaphore_mem>>) src(%dma_wait3A_544 : memref<256x64xf32, #tpu.memory_space<vmem>>) dst(%dma_wait3A_540 : memref<256x64xf32, #tpu.memory_space<hbm>>)
        %mul3A_545 = arith.constant 2 : i32
        %mul3A_546 = arith.muli %add3A_444, %mul3A_545 : i32
        %add3A_547 = arith.constant 0 : i32
        %add3A_548 = arith.addi %mul3A_546, %add3A_547 : i32
        %dma_start3A_549 = arith.constant 2 : i32
        %dma_start3A_550 = arith.constant 2 : i32
        %dma_start3A_551 = arith.constant 0 : i32
        %dma_start3A_552 = arith.constant 0 : i32
        %dma_start3A_553 = tpu.memref_slice %arg6[%dma_start3A_549, %dma_start3A_551, %dma_start3A_552] : memref<4x256x64xf32, #tpu.memory_space<vmem>> -> memref<1x256x64xf32, #tpu.memory_space<vmem>>
        %dma_start3A_554 = tpu.memref_squeeze %dma_start3A_553 : memref<1x256x64xf32, #tpu.memory_space<vmem>> -> memref<256x64xf32, #tpu.memory_space<vmem>>
        %dma_start3A_555 = arith.constant 0 : i32
        %dma_start3A_556 = arith.constant 0 : i32
        %dma_start3A_557 = tpu.memref_slice %dma_start3A_554[%dma_start3A_555, %dma_start3A_556] : memref<256x64xf32, #tpu.memory_space<vmem>> -> memref<128x64xf32, #tpu.memory_space<vmem>>
        %dma_start3A_558 = arith.constant 0 : i32
        %dma_start3A_559 = tpu.memref_slice %arg5[%add3A_548, %dma_start3A_558] : memref<200x128xi32, #tpu.memory_space<vmem>> -> memref<1x128xi32, #tpu.memory_space<vmem>>
        %dma_start3A_560 = tpu.memref_squeeze %dma_start3A_559 : memref<1x128xi32, #tpu.memory_space<vmem>> -> memref<128xi32, #tpu.memory_space<vmem>>
        %dma_start3A_561 = arith.constant 0 : i32
        %dma_start3A_562 = arith.constant 0 : i32
        %dma_start3A_563 = tpu.memref_slice %arg3[%dma_start3A_561, %dma_start3A_562] : memref<1002496x64xf32, #tpu.memory_space<hbm>> -> memref<1002496x64xf32, #tpu.memory_space<hbm>>
        %dma_start3A_564 = tpu.memref_slice %arg7[%dma_start3A_550] : memref<4x!tpu.dma_semaphore, #tpu.memory_space<semaphore_mem>> -> memref<1x!tpu.dma_semaphore, #tpu.memory_space<semaphore_mem>>
        %dma_start3A_565 = tpu.memref_squeeze %dma_start3A_564 : memref<1x!tpu.dma_semaphore, #tpu.memory_space<semaphore_mem>> -> memref<!tpu.dma_semaphore, #tpu.memory_space<semaphore_mem>>
        tpu.enqueue_indirect_dma source(%dma_start3A_563 : memref<1002496x64xf32, #tpu.memory_space<hbm>>) target(%dma_start3A_557 : memref<128x64xf32, #tpu.memory_space<vmem>>) offsets(%dma_start3A_560 : memref<128xi32, #tpu.memory_space<vmem>>) semaphore(%dma_start3A_565 : memref<!tpu.dma_semaphore, #tpu.memory_space<semaphore_mem>>)
        %mul3A_566 = arith.constant 2 : i32
        %mul3A_567 = arith.muli %add3A_444, %mul3A_566 : i32
        %add3A_568 = arith.constant 1 : i32
        %add3A_569 = arith.addi %mul3A_567, %add3A_568 : i32
        %dma_start3A_570 = arith.constant 2 : i32
        %dma_start3A_571 = arith.constant 2 : i32
        %dma_start3A_572 = arith.constant 0 : i32
        %dma_start3A_573 = arith.constant 0 : i32
        %dma_start3A_574 = tpu.memref_slice %arg6[%dma_start3A_570, %dma_start3A_572, %dma_start3A_573] : memref<4x256x64xf32, #tpu.memory_space<vmem>> -> memref<1x256x64xf32, #tpu.memory_space<vmem>>
        %dma_start3A_575 = tpu.memref_squeeze %dma_start3A_574 : memref<1x256x64xf32, #tpu.memory_space<vmem>> -> memref<256x64xf32, #tpu.memory_space<vmem>>
        %dma_start3A_576 = arith.constant 128 : i32
        %dma_start3A_577 = arith.constant 0 : i32
        %dma_start3A_578 = tpu.memref_slice %dma_start3A_575[%dma_start3A_576, %dma_start3A_577] : memref<256x64xf32, #tpu.memory_space<vmem>> -> memref<128x64xf32, #tpu.memory_space<vmem>>
        %dma_start3A_579 = arith.constant 0 : i32
        %dma_start3A_580 = tpu.memref_slice %arg5[%add3A_569, %dma_start3A_579] : memref<200x128xi32, #tpu.memory_space<vmem>> -> memref<1x128xi32, #tpu.memory_space<vmem>>
        %dma_start3A_581 = tpu.memref_squeeze %dma_start3A_580 : memref<1x128xi32, #tpu.memory_space<vmem>> -> memref<128xi32, #tpu.memory_space<vmem>>
        %dma_start3A_582 = arith.constant 0 : i32
        %dma_start3A_583 = arith.constant 0 : i32
        %dma_start3A_584 = tpu.memref_slice %arg3[%dma_start3A_582, %dma_start3A_583] : memref<1002496x64xf32, #tpu.memory_space<hbm>> -> memref<1002496x64xf32, #tpu.memory_space<hbm>>
        %dma_start3A_585 = tpu.memref_slice %arg7[%dma_start3A_571] : memref<4x!tpu.dma_semaphore, #tpu.memory_space<semaphore_mem>> -> memref<1x!tpu.dma_semaphore, #tpu.memory_space<semaphore_mem>>
        %dma_start3A_586 = tpu.memref_squeeze %dma_start3A_585 : memref<1x!tpu.dma_semaphore, #tpu.memory_space<semaphore_mem>> -> memref<!tpu.dma_semaphore, #tpu.memory_space<semaphore_mem>>
        tpu.enqueue_indirect_dma source(%dma_start3A_584 : memref<1002496x64xf32, #tpu.memory_space<hbm>>) target(%dma_start3A_578 : memref<128x64xf32, #tpu.memory_space<vmem>>) offsets(%dma_start3A_581 : memref<128xi32, #tpu.memory_space<vmem>>) semaphore(%dma_start3A_586 : memref<!tpu.dma_semaphore, #tpu.memory_space<semaphore_mem>>)
      } else {
      }
      %mul3A_450 = arith.constant 4 : i32
      %mul3A_451 = arith.muli %scan3A_230, %mul3A_450 : i32
      %add3A_452 = arith.constant 3 : i32
      %add3A_453 = arith.addi %mul3A_451, %add3A_452 : i32
      %mul3A_454 = arith.constant 2 : i32
      %mul3A_455 = arith.muli %add3A_453, %mul3A_454 : i32
      %add3A_456 = arith.constant 0 : i32
      %add3A_457 = arith.addi %mul3A_455, %add3A_456 : i32
      %dma_wait3A_458 = arith.constant 3 : i32
      %dma_wait3A_459 = arith.constant 3 : i32
      %dma_wait3A_460 = arith.constant 0 : i32
      %dma_wait3A_461 = arith.constant 0 : i32
      %dma_wait3A_462 = tpu.memref_slice %arg6[%dma_wait3A_458, %dma_wait3A_460, %dma_wait3A_461] : memref<4x256x64xf32, #tpu.memory_space<vmem>> -> memref<1x256x64xf32, #tpu.memory_space<vmem>>
      %dma_wait3A_463 = tpu.memref_squeeze %dma_wait3A_462 : memref<1x256x64xf32, #tpu.memory_space<vmem>> -> memref<256x64xf32, #tpu.memory_space<vmem>>
      %dma_wait3A_464 = arith.constant 0 : i32
      %dma_wait3A_465 = arith.constant 0 : i32
      %dma_wait3A_466 = tpu.memref_slice %dma_wait3A_463[%dma_wait3A_464, %dma_wait3A_465] : memref<256x64xf32, #tpu.memory_space<vmem>> -> memref<128x64xf32, #tpu.memory_space<vmem>>
      %dma_wait3A_467 = arith.constant 0 : i32
      %dma_wait3A_468 = tpu.memref_slice %arg5[%add3A_457, %dma_wait3A_467] : memref<200x128xi32, #tpu.memory_space<vmem>> -> memref<1x128xi32, #tpu.memory_space<vmem>>
      %dma_wait3A_469 = tpu.memref_squeeze %dma_wait3A_468 : memref<1x128xi32, #tpu.memory_space<vmem>> -> memref<128xi32, #tpu.memory_space<vmem>>
      %dma_wait3A_470 = arith.constant 0 : i32
      %dma_wait3A_471 = arith.constant 0 : i32
      %dma_wait3A_472 = tpu.memref_slice %arg3[%dma_wait3A_470, %dma_wait3A_471] : memref<1002496x64xf32, #tpu.memory_space<hbm>> -> memref<1002496x64xf32, #tpu.memory_space<hbm>>
      %dma_wait3A_473 = tpu.memref_slice %arg7[%dma_wait3A_459] : memref<4x!tpu.dma_semaphore, #tpu.memory_space<semaphore_mem>> -> memref<1x!tpu.dma_semaphore, #tpu.memory_space<semaphore_mem>>
      %dma_wait3A_474 = tpu.memref_squeeze %dma_wait3A_473 : memref<1x!tpu.dma_semaphore, #tpu.memory_space<semaphore_mem>> -> memref<!tpu.dma_semaphore, #tpu.memory_space<semaphore_mem>>
      tpu.wait_indirect_dma semaphore(%dma_wait3A_474 : memref<!tpu.dma_semaphore, #tpu.memory_space<semaphore_mem>>) src(%dma_wait3A_472 : memref<1002496x64xf32, #tpu.memory_space<hbm>>) dst(%dma_wait3A_466 : memref<128x64xf32, #tpu.memory_space<vmem>>)
      %mul3A_475 = arith.constant 2 : i32
      %mul3A_476 = arith.muli %add3A_453, %mul3A_475 : i32
      %add3A_477 = arith.constant 1 : i32
      %add3A_478 = arith.addi %mul3A_476, %add3A_477 : i32
      %dma_wait3A_479 = arith.constant 3 : i32
      %dma_wait3A_480 = arith.constant 3 : i32
      %dma_wait3A_481 = arith.constant 0 : i32
      %dma_wait3A_482 = arith.constant 0 : i32
      %dma_wait3A_483 = tpu.memref_slice %arg6[%dma_wait3A_479, %dma_wait3A_481, %dma_wait3A_482] : memref<4x256x64xf32, #tpu.memory_space<vmem>> -> memref<1x256x64xf32, #tpu.memory_space<vmem>>
      %dma_wait3A_484 = tpu.memref_squeeze %dma_wait3A_483 : memref<1x256x64xf32, #tpu.memory_space<vmem>> -> memref<256x64xf32, #tpu.memory_space<vmem>>
      %dma_wait3A_485 = arith.constant 128 : i32
      %dma_wait3A_486 = arith.constant 0 : i32
      %dma_wait3A_487 = tpu.memref_slice %dma_wait3A_484[%dma_wait3A_485, %dma_wait3A_486] : memref<256x64xf32, #tpu.memory_space<vmem>> -> memref<128x64xf32, #tpu.memory_space<vmem>>
      %dma_wait3A_488 = arith.constant 0 : i32
      %dma_wait3A_489 = tpu.memref_slice %arg5[%add3A_478, %dma_wait3A_488] : memref<200x128xi32, #tpu.memory_space<vmem>> -> memref<1x128xi32, #tpu.memory_space<vmem>>
      %dma_wait3A_490 = tpu.memref_squeeze %dma_wait3A_489 : memref<1x128xi32, #tpu.memory_space<vmem>> -> memref<128xi32, #tpu.memory_space<vmem>>
      %dma_wait3A_491 = arith.constant 0 : i32
      %dma_wait3A_492 = arith.constant 0 : i32
      %dma_wait3A_493 = tpu.memref_slice %arg3[%dma_wait3A_491, %dma_wait3A_492] : memref<1002496x64xf32, #tpu.memory_space<hbm>> -> memref<1002496x64xf32, #tpu.memory_space<hbm>>
      %dma_wait3A_494 = tpu.memref_slice %arg7[%dma_wait3A_480] : memref<4x!tpu.dma_semaphore, #tpu.memory_space<semaphore_mem>> -> memref<1x!tpu.dma_semaphore, #tpu.memory_space<semaphore_mem>>
      %dma_wait3A_495 = tpu.memref_squeeze %dma_wait3A_494 : memref<1x!tpu.dma_semaphore, #tpu.memory_space<semaphore_mem>> -> memref<!tpu.dma_semaphore, #tpu.memory_space<semaphore_mem>>
      tpu.wait_indirect_dma semaphore(%dma_wait3A_495 : memref<!tpu.dma_semaphore, #tpu.memory_space<semaphore_mem>>) src(%dma_wait3A_493 : memref<1002496x64xf32, #tpu.memory_space<hbm>>) dst(%dma_wait3A_487 : memref<128x64xf32, #tpu.memory_space<vmem>>)
      %mul3A_496 = arith.constant 128 : i32
      %mul3A_497 = arith.muli %mul3A_2, %mul3A_496 : i32
      %mul3A_498 = arith.constant 256 : i32
      %mul3A_499 = arith.muli %add3A_453, %mul3A_498 : i32
      %add3A_500 = arith.addi %mul3A_497, %mul3A_499 : i32
      %dma_start3A_501 = arith.constant 3 : i32
      %dma_start3A_502 = arith.constant 3 : i32
      %dma_start3A_503 = arith.constant 0 : i32
      %dma_start3A_504 = arith.constant 0 : i32
      %dma_start3A_505 = tpu.memref_slice %arg6[%dma_start3A_501, %dma_start3A_503, %dma_start3A_504] : memref<4x256x64xf32, #tpu.memory_space<vmem>> -> memref<1x256x64xf32, #tpu.memory_space<vmem>>
      %dma_start3A_506 = tpu.memref_squeeze %dma_start3A_505 : memref<1x256x64xf32, #tpu.memory_space<vmem>> -> memref<256x64xf32, #tpu.memory_space<vmem>>
      %dma_start3A_507 = arith.constant 0 : i32
      %dma_start3A_508 = tpu.memref_slice %arg4[%add3A_500, %dma_start3A_507] : memref<819200x128xf32, #tpu.memory_space<hbm>> -> memref<256x64xf32, #tpu.memory_space<hbm>>
      %dma_start3A_509 = tpu.memref_slice %arg8[%dma_start3A_502] : memref<4x!tpu.dma_semaphore, #tpu.memory_space<semaphore_mem>> -> memref<1x!tpu.dma_semaphore, #tpu.memory_space<semaphore_mem>>
      %dma_start3A_510 = tpu.memref_squeeze %dma_start3A_509 : memref<1x!tpu.dma_semaphore, #tpu.memory_space<semaphore_mem>> -> memref<!tpu.dma_semaphore, #tpu.memory_space<semaphore_mem>>
      %dma_start3A_511 = arith.constant 0 : i32
      %dma_start3A_512 = tpu.memref_slice %arg4[%add3A_500, %dma_start3A_511] : memref<819200x128xf32, #tpu.memory_space<hbm>> -> memref<256x64xf32, #tpu.memory_space<hbm>>
      %dma_start3A_513 = arith.constant 0 : i32
      %dma_start3A_514 = arith.constant 0 : i32
      %dma_start3A_515 = tpu.memref_slice %arg6[%dma_start3A_501, %dma_start3A_513, %dma_start3A_514] : memref<4x256x64xf32, #tpu.memory_space<vmem>> -> memref<1x256x64xf32, #tpu.memory_space<vmem>>
      %dma_start3A_516 = tpu.memref_squeeze %dma_start3A_515 : memref<1x256x64xf32, #tpu.memory_space<vmem>> -> memref<256x64xf32, #tpu.memory_space<vmem>>
      tpu.enqueue_dma source(%dma_start3A_516 : memref<256x64xf32, #tpu.memory_space<vmem>>) target(%dma_start3A_512 : memref<256x64xf32, #tpu.memory_space<hbm>>) target_semaphore(%dma_start3A_510 : memref<!tpu.dma_semaphore, #tpu.memory_space<semaphore_mem>>)
      %add3A_517 = arith.constant 4 : i32
      %add3A_518 = arith.addi %add3A_453, %add3A_517 : i32
      %lt3A_519 = arith.constant 100 : i32
      %lt3A_520 = arith.cmpi slt, %add3A_518, %lt3A_519 : i32
      %convert_element_type3A_521 = arith.extui %lt3A_520 : i1 to i32
      %cond3A_522 = arith.constant 0 : i32
      %cond3A_523 = arith.cmpi ne, %convert_element_type3A_521, %cond3A_522 : i32
      scf.if %cond3A_523 {
        %mul3A_524 = arith.constant 128 : i32
        %mul3A_525 = arith.muli %mul3A_2, %mul3A_524 : i32
        %mul3A_526 = arith.constant 256 : i32
        %mul3A_527 = arith.muli %add3A_453, %mul3A_526 : i32
        %add3A_528 = arith.addi %mul3A_525, %mul3A_527 : i32
        %dma_wait3A_529 = arith.constant 3 : i32
        %dma_wait3A_530 = arith.constant 3 : i32
        %dma_wait3A_531 = arith.constant 0 : i32
        %dma_wait3A_532 = arith.constant 0 : i32
        %dma_wait3A_533 = tpu.memref_slice %arg6[%dma_wait3A_529, %dma_wait3A_531, %dma_wait3A_532] : memref<4x256x64xf32, #tpu.memory_space<vmem>> -> memref<1x256x64xf32, #tpu.memory_space<vmem>>
        %dma_wait3A_534 = tpu.memref_squeeze %dma_wait3A_533 : memref<1x256x64xf32, #tpu.memory_space<vmem>> -> memref<256x64xf32, #tpu.memory_space<vmem>>
        %dma_wait3A_535 = arith.constant 0 : i32
        %dma_wait3A_536 = tpu.memref_slice %arg4[%add3A_528, %dma_wait3A_535] : memref<819200x128xf32, #tpu.memory_space<hbm>> -> memref<256x64xf32, #tpu.memory_space<hbm>>
        %dma_wait3A_537 = tpu.memref_slice %arg8[%dma_wait3A_530] : memref<4x!tpu.dma_semaphore, #tpu.memory_space<semaphore_mem>> -> memref<1x!tpu.dma_semaphore, #tpu.memory_space<semaphore_mem>>
        %dma_wait3A_538 = tpu.memref_squeeze %dma_wait3A_537 : memref<1x!tpu.dma_semaphore, #tpu.memory_space<semaphore_mem>> -> memref<!tpu.dma_semaphore, #tpu.memory_space<semaphore_mem>>
        %dma_wait3A_539 = arith.constant 0 : i32
        %dma_wait3A_540 = tpu.memref_slice %arg4[%add3A_528, %dma_wait3A_539] : memref<819200x128xf32, #tpu.memory_space<hbm>> -> memref<256x64xf32, #tpu.memory_space<hbm>>
        %dma_wait3A_541 = arith.constant 0 : i32
        %dma_wait3A_542 = arith.constant 0 : i32
        %dma_wait3A_543 = tpu.memref_slice %arg6[%dma_wait3A_529, %dma_wait3A_541, %dma_wait3A_542] : memref<4x256x64xf32, #tpu.memory_space<vmem>> -> memref<1x256x64xf32, #tpu.memory_space<vmem>>
        %dma_wait3A_544 = tpu.memref_squeeze %dma_wait3A_543 : memref<1x256x64xf32, #tpu.memory_space<vmem>> -> memref<256x64xf32, #tpu.memory_space<vmem>>
        tpu.wait_dma2 semaphore(%dma_wait3A_538 : memref<!tpu.dma_semaphore, #tpu.memory_space<semaphore_mem>>) src(%dma_wait3A_544 : memref<256x64xf32, #tpu.memory_space<vmem>>) dst(%dma_wait3A_540 : memref<256x64xf32, #tpu.memory_space<hbm>>)
        %mul3A_545 = arith.constant 2 : i32
        %mul3A_546 = arith.muli %add3A_518, %mul3A_545 : i32
        %add3A_547 = arith.constant 0 : i32
        %add3A_548 = arith.addi %mul3A_546, %add3A_547 : i32
        %dma_start3A_549 = arith.constant 3 : i32
        %dma_start3A_550 = arith.constant 3 : i32
        %dma_start3A_551 = arith.constant 0 : i32
        %dma_start3A_552 = arith.constant 0 : i32
        %dma_start3A_553 = tpu.memref_slice %arg6[%dma_start3A_549, %dma_start3A_551, %dma_start3A_552] : memref<4x256x64xf32, #tpu.memory_space<vmem>> -> memref<1x256x64xf32, #tpu.memory_space<vmem>>
        %dma_start3A_554 = tpu.memref_squeeze %dma_start3A_553 : memref<1x256x64xf32, #tpu.memory_space<vmem>> -> memref<256x64xf32, #tpu.memory_space<vmem>>
        %dma_start3A_555 = arith.constant 0 : i32
        %dma_start3A_556 = arith.constant 0 : i32
        %dma_start3A_557 = tpu.memref_slice %dma_start3A_554[%dma_start3A_555, %dma_start3A_556] : memref<256x64xf32, #tpu.memory_space<vmem>> -> memref<128x64xf32, #tpu.memory_space<vmem>>
        %dma_start3A_558 = arith.constant 0 : i32
        %dma_start3A_559 = tpu.memref_slice %arg5[%add3A_548, %dma_start3A_558] : memref<200x128xi32, #tpu.memory_space<vmem>> -> memref<1x128xi32, #tpu.memory_space<vmem>>
        %dma_start3A_560 = tpu.memref_squeeze %dma_start3A_559 : memref<1x128xi32, #tpu.memory_space<vmem>> -> memref<128xi32, #tpu.memory_space<vmem>>
        %dma_start3A_561 = arith.constant 0 : i32
        %dma_start3A_562 = arith.constant 0 : i32
        %dma_start3A_563 = tpu.memref_slice %arg3[%dma_start3A_561, %dma_start3A_562] : memref<1002496x64xf32, #tpu.memory_space<hbm>> -> memref<1002496x64xf32, #tpu.memory_space<hbm>>
        %dma_start3A_564 = tpu.memref_slice %arg7[%dma_start3A_550] : memref<4x!tpu.dma_semaphore, #tpu.memory_space<semaphore_mem>> -> memref<1x!tpu.dma_semaphore, #tpu.memory_space<semaphore_mem>>
        %dma_start3A_565 = tpu.memref_squeeze %dma_start3A_564 : memref<1x!tpu.dma_semaphore, #tpu.memory_space<semaphore_mem>> -> memref<!tpu.dma_semaphore, #tpu.memory_space<semaphore_mem>>
        tpu.enqueue_indirect_dma source(%dma_start3A_563 : memref<1002496x64xf32, #tpu.memory_space<hbm>>) target(%dma_start3A_557 : memref<128x64xf32, #tpu.memory_space<vmem>>) offsets(%dma_start3A_560 : memref<128xi32, #tpu.memory_space<vmem>>) semaphore(%dma_start3A_565 : memref<!tpu.dma_semaphore, #tpu.memory_space<semaphore_mem>>)
        %mul3A_566 = arith.constant 2 : i32
        %mul3A_567 = arith.muli %add3A_518, %mul3A_566 : i32
        %add3A_568 = arith.constant 1 : i32
        %add3A_569 = arith.addi %mul3A_567, %add3A_568 : i32
        %dma_start3A_570 = arith.constant 3 : i32
        %dma_start3A_571 = arith.constant 3 : i32
        %dma_start3A_572 = arith.constant 0 : i32
        %dma_start3A_573 = arith.constant 0 : i32
        %dma_start3A_574 = tpu.memref_slice %arg6[%dma_start3A_570, %dma_start3A_572, %dma_start3A_573] : memref<4x256x64xf32, #tpu.memory_space<vmem>> -> memref<1x256x64xf32, #tpu.memory_space<vmem>>
        %dma_start3A_575 = tpu.memref_squeeze %dma_start3A_574 : memref<1x256x64xf32, #tpu.memory_space<vmem>> -> memref<256x64xf32, #tpu.memory_space<vmem>>
        %dma_start3A_576 = arith.constant 128 : i32
        %dma_start3A_577 = arith.constant 0 : i32
        %dma_start3A_578 = tpu.memref_slice %dma_start3A_575[%dma_start3A_576, %dma_start3A_577] : memref<256x64xf32, #tpu.memory_space<vmem>> -> memref<128x64xf32, #tpu.memory_space<vmem>>
        %dma_start3A_579 = arith.constant 0 : i32
        %dma_start3A_580 = tpu.memref_slice %arg5[%add3A_569, %dma_start3A_579] : memref<200x128xi32, #tpu.memory_space<vmem>> -> memref<1x128xi32, #tpu.memory_space<vmem>>
        %dma_start3A_581 = tpu.memref_squeeze %dma_start3A_580 : memref<1x128xi32, #tpu.memory_space<vmem>> -> memref<128xi32, #tpu.memory_space<vmem>>
        %dma_start3A_582 = arith.constant 0 : i32
        %dma_start3A_583 = arith.constant 0 : i32
        %dma_start3A_584 = tpu.memref_slice %arg3[%dma_start3A_582, %dma_start3A_583] : memref<1002496x64xf32, #tpu.memory_space<hbm>> -> memref<1002496x64xf32, #tpu.memory_space<hbm>>
        %dma_start3A_585 = tpu.memref_slice %arg7[%dma_start3A_571] : memref<4x!tpu.dma_semaphore, #tpu.memory_space<semaphore_mem>> -> memref<1x!tpu.dma_semaphore, #tpu.memory_space<semaphore_mem>>
        %dma_start3A_586 = tpu.memref_squeeze %dma_start3A_585 : memref<1x!tpu.dma_semaphore, #tpu.memory_space<semaphore_mem>> -> memref<!tpu.dma_semaphore, #tpu.memory_space<semaphore_mem>>
        tpu.enqueue_indirect_dma source(%dma_start3A_584 : memref<1002496x64xf32, #tpu.memory_space<hbm>>) target(%dma_start3A_578 : memref<128x64xf32, #tpu.memory_space<vmem>>) offsets(%dma_start3A_581 : memref<128xi32, #tpu.memory_space<vmem>>) semaphore(%dma_start3A_586 : memref<!tpu.dma_semaphore, #tpu.memory_space<semaphore_mem>>)
      } else {
      }
    }
    %scan3A_150 = arith.constant 25 : i32
    %mul3A_151 = arith.constant 128 : i32
    %mul3A_152 = arith.muli %mul3A_2, %mul3A_151 : i32
    %add3A_153 = arith.constant 24576 : i32
    %add3A_154 = arith.addi %mul3A_152, %add3A_153 : i32
    %dma_wait3A = arith.constant 0 : i32
    %dma_wait3A_155 = arith.constant 0 : i32
    %dma_wait3A_156 = arith.constant 0 : i32
    %dma_wait3A_157 = arith.constant 0 : i32
    %dma_wait3A_158 = tpu.memref_slice %arg6[%dma_wait3A, %dma_wait3A_156, %dma_wait3A_157] : memref<4x256x64xf32, #tpu.memory_space<vmem>> -> memref<1x256x64xf32, #tpu.memory_space<vmem>>
    %dma_wait3A_159 = tpu.memref_squeeze %dma_wait3A_158 : memref<1x256x64xf32, #tpu.memory_space<vmem>> -> memref<256x64xf32, #tpu.memory_space<vmem>>
    %dma_wait3A_160 = arith.constant 0 : i32
    %dma_wait3A_161 = tpu.memref_slice %arg4[%add3A_154, %dma_wait3A_160] : memref<819200x128xf32, #tpu.memory_space<hbm>> -> memref<256x64xf32, #tpu.memory_space<hbm>>
    %dma_wait3A_162 = tpu.memref_slice %arg8[%dma_wait3A_155] : memref<4x!tpu.dma_semaphore, #tpu.memory_space<semaphore_mem>> -> memref<1x!tpu.dma_semaphore, #tpu.memory_space<semaphore_mem>>
    %dma_wait3A_163 = tpu.memref_squeeze %dma_wait3A_162 : memref<1x!tpu.dma_semaphore, #tpu.memory_space<semaphore_mem>> -> memref<!tpu.dma_semaphore, #tpu.memory_space<semaphore_mem>>
    %dma_wait3A_164 = arith.constant 0 : i32
    %dma_wait3A_165 = tpu.memref_slice %arg4[%add3A_154, %dma_wait3A_164] : memref<819200x128xf32, #tpu.memory_space<hbm>> -> memref<256x64xf32, #tpu.memory_space<hbm>>
    %dma_wait3A_166 = arith.constant 0 : i32
    %dma_wait3A_167 = arith.constant 0 : i32
    %dma_wait3A_168 = tpu.memref_slice %arg6[%dma_wait3A, %dma_wait3A_166, %dma_wait3A_167] : memref<4x256x64xf32, #tpu.memory_space<vmem>> -> memref<1x256x64xf32, #tpu.memory_space<vmem>>
    %dma_wait3A_169 = tpu.memref_squeeze %dma_wait3A_168 : memref<1x256x64xf32, #tpu.memory_space<vmem>> -> memref<256x64xf32, #tpu.memory_space<vmem>>
    tpu.wait_dma2 semaphore(%dma_wait3A_163 : memref<!tpu.dma_semaphore, #tpu.memory_space<semaphore_mem>>) src(%dma_wait3A_169 : memref<256x64xf32, #tpu.memory_space<vmem>>) dst(%dma_wait3A_165 : memref<256x64xf32, #tpu.memory_space<hbm>>)
    %mul3A_170 = arith.constant 128 : i32
    %mul3A_171 = arith.muli %mul3A_2, %mul3A_170 : i32
    %add3A_172 = arith.constant 24832 : i32
    %add3A_173 = arith.addi %mul3A_171, %add3A_172 : i32
    %dma_wait3A_174 = arith.constant 1 : i32
    %dma_wait3A_175 = arith.constant 1 : i32
    %dma_wait3A_176 = arith.constant 0 : i32
    %dma_wait3A_177 = arith.constant 0 : i32
    %dma_wait3A_178 = tpu.memref_slice %arg6[%dma_wait3A_174, %dma_wait3A_176, %dma_wait3A_177] : memref<4x256x64xf32, #tpu.memory_space<vmem>> -> memref<1x256x64xf32, #tpu.memory_space<vmem>>
    %dma_wait3A_179 = tpu.memref_squeeze %dma_wait3A_178 : memref<1x256x64xf32, #tpu.memory_space<vmem>> -> memref<256x64xf32, #tpu.memory_space<vmem>>
    %dma_wait3A_180 = arith.constant 0 : i32
    %dma_wait3A_181 = tpu.memref_slice %arg4[%add3A_173, %dma_wait3A_180] : memref<819200x128xf32, #tpu.memory_space<hbm>> -> memref<256x64xf32, #tpu.memory_space<hbm>>
    %dma_wait3A_182 = tpu.memref_slice %arg8[%dma_wait3A_175] : memref<4x!tpu.dma_semaphore, #tpu.memory_space<semaphore_mem>> -> memref<1x!tpu.dma_semaphore, #tpu.memory_space<semaphore_mem>>
    %dma_wait3A_183 = tpu.memref_squeeze %dma_wait3A_182 : memref<1x!tpu.dma_semaphore, #tpu.memory_space<semaphore_mem>> -> memref<!tpu.dma_semaphore, #tpu.memory_space<semaphore_mem>>
    %dma_wait3A_184 = arith.constant 0 : i32
    %dma_wait3A_185 = tpu.memref_slice %arg4[%add3A_173, %dma_wait3A_184] : memref<819200x128xf32, #tpu.memory_space<hbm>> -> memref<256x64xf32, #tpu.memory_space<hbm>>
    %dma_wait3A_186 = arith.constant 0 : i32
    %dma_wait3A_187 = arith.constant 0 : i32
    %dma_wait3A_188 = tpu.memref_slice %arg6[%dma_wait3A_174, %dma_wait3A_186, %dma_wait3A_187] : memref<4x256x64xf32, #tpu.memory_space<vmem>> -> memref<1x256x64xf32, #tpu.memory_space<vmem>>
    %dma_wait3A_189 = tpu.memref_squeeze %dma_wait3A_188 : memref<1x256x64xf32, #tpu.memory_space<vmem>> -> memref<256x64xf32, #tpu.memory_space<vmem>>
    tpu.wait_dma2 semaphore(%dma_wait3A_183 : memref<!tpu.dma_semaphore, #tpu.memory_space<semaphore_mem>>) src(%dma_wait3A_189 : memref<256x64xf32, #tpu.memory_space<vmem>>) dst(%dma_wait3A_185 : memref<256x64xf32, #tpu.memory_space<hbm>>)
    %mul3A_190 = arith.constant 128 : i32
    %mul3A_191 = arith.muli %mul3A_2, %mul3A_190 : i32
    %add3A_192 = arith.constant 25088 : i32
    %add3A_193 = arith.addi %mul3A_191, %add3A_192 : i32
    %dma_wait3A_194 = arith.constant 2 : i32
    %dma_wait3A_195 = arith.constant 2 : i32
    %dma_wait3A_196 = arith.constant 0 : i32
    %dma_wait3A_197 = arith.constant 0 : i32
    %dma_wait3A_198 = tpu.memref_slice %arg6[%dma_wait3A_194, %dma_wait3A_196, %dma_wait3A_197] : memref<4x256x64xf32, #tpu.memory_space<vmem>> -> memref<1x256x64xf32, #tpu.memory_space<vmem>>
    %dma_wait3A_199 = tpu.memref_squeeze %dma_wait3A_198 : memref<1x256x64xf32, #tpu.memory_space<vmem>> -> memref<256x64xf32, #tpu.memory_space<vmem>>
    %dma_wait3A_200 = arith.constant 0 : i32
    %dma_wait3A_201 = tpu.memref_slice %arg4[%add3A_193, %dma_wait3A_200] : memref<819200x128xf32, #tpu.memory_space<hbm>> -> memref<256x64xf32, #tpu.memory_space<hbm>>
    %dma_wait3A_202 = tpu.memref_slice %arg8[%dma_wait3A_195] : memref<4x!tpu.dma_semaphore, #tpu.memory_space<semaphore_mem>> -> memref<1x!tpu.dma_semaphore, #tpu.memory_space<semaphore_mem>>
    %dma_wait3A_203 = tpu.memref_squeeze %dma_wait3A_202 : memref<1x!tpu.dma_semaphore, #tpu.memory_space<semaphore_mem>> -> memref<!tpu.dma_semaphore, #tpu.memory_space<semaphore_mem>>
    %dma_wait3A_204 = arith.constant 0 : i32
    %dma_wait3A_205 = tpu.memref_slice %arg4[%add3A_193, %dma_wait3A_204] : memref<819200x128xf32, #tpu.memory_space<hbm>> -> memref<256x64xf32, #tpu.memory_space<hbm>>
    %dma_wait3A_206 = arith.constant 0 : i32
    %dma_wait3A_207 = arith.constant 0 : i32
    %dma_wait3A_208 = tpu.memref_slice %arg6[%dma_wait3A_194, %dma_wait3A_206, %dma_wait3A_207] : memref<4x256x64xf32, #tpu.memory_space<vmem>> -> memref<1x256x64xf32, #tpu.memory_space<vmem>>
    %dma_wait3A_209 = tpu.memref_squeeze %dma_wait3A_208 : memref<1x256x64xf32, #tpu.memory_space<vmem>> -> memref<256x64xf32, #tpu.memory_space<vmem>>
    tpu.wait_dma2 semaphore(%dma_wait3A_203 : memref<!tpu.dma_semaphore, #tpu.memory_space<semaphore_mem>>) src(%dma_wait3A_209 : memref<256x64xf32, #tpu.memory_space<vmem>>) dst(%dma_wait3A_205 : memref<256x64xf32, #tpu.memory_space<hbm>>)
    %mul3A_210 = arith.constant 128 : i32
    %mul3A_211 = arith.muli %mul3A_2, %mul3A_210 : i32
    %add3A_212 = arith.constant 25344 : i32
    %add3A_213 = arith.addi %mul3A_211, %add3A_212 : i32
    %dma_wait3A_214 = arith.constant 3 : i32
    %dma_wait3A_215 = arith.constant 3 : i32
    %dma_wait3A_216 = arith.constant 0 : i32
    %dma_wait3A_217 = arith.constant 0 : i32
    %dma_wait3A_218 = tpu.memref_slice %arg6[%dma_wait3A_214, %dma_wait3A_216, %dma_wait3A_217] : memref<4x256x64xf32, #tpu.memory_space<vmem>> -> memref<1x256x64xf32, #tpu.memory_space<vmem>>
    %dma_wait3A_219 = tpu.memref_squeeze %dma_wait3A_218 : memref<1x256x64xf32, #tpu.memory_space<vmem>> -> memref<256x64xf32, #tpu.memory_space<vmem>>
    %dma_wait3A_220 = arith.constant 0 : i32
    %dma_wait3A_221 = tpu.memref_slice %arg4[%add3A_213, %dma_wait3A_220] : memref<819200x128xf32, #tpu.memory_space<hbm>> -> memref<256x64xf32, #tpu.memory_space<hbm>>
    %dma_wait3A_222 = tpu.memref_slice %arg8[%dma_wait3A_215] : memref<4x!tpu.dma_semaphore, #tpu.memory_space<semaphore_mem>> -> memref<1x!tpu.dma_semaphore, #tpu.memory_space<semaphore_mem>>
    %dma_wait3A_223 = tpu.memref_squeeze %dma_wait3A_222 : memref<1x!tpu.dma_semaphore, #tpu.memory_space<semaphore_mem>> -> memref<!tpu.dma_semaphore, #tpu.memory_space<semaphore_mem>>
    %dma_wait3A_224 = arith.constant 0 : i32
    %dma_wait3A_225 = tpu.memref_slice %arg4[%add3A_213, %dma_wait3A_224] : memref<819200x128xf32, #tpu.memory_space<hbm>> -> memref<256x64xf32, #tpu.memory_space<hbm>>
    %dma_wait3A_226 = arith.constant 0 : i32
    %dma_wait3A_227 = arith.constant 0 : i32
    %dma_wait3A_228 = tpu.memref_slice %arg6[%dma_wait3A_214, %dma_wait3A_226, %dma_wait3A_227] : memref<4x256x64xf32, #tpu.memory_space<vmem>> -> memref<1x256x64xf32, #tpu.memory_space<vmem>>
    %dma_wait3A_229 = tpu.memref_squeeze %dma_wait3A_228 : memref<1x256x64xf32, #tpu.memory_space<vmem>> -> memref<256x64xf32, #tpu.memory_space<vmem>>
    tpu.wait_dma2 semaphore(%dma_wait3A_223 : memref<!tpu.dma_semaphore, #tpu.memory_space<semaphore_mem>>) src(%dma_wait3A_229 : memref<256x64xf32, #tpu.memory_space<vmem>>) dst(%dma_wait3A_225 : memref<256x64xf32, #tpu.memory_space<hbm>>)
    return
  }
}

module attributes {stable_mosaic.version = 14 : i64} {
  func.func @_transpose_block(%arg0: i32, %arg1: memref<64x5632xf32, #tpu.memory_space<vmem>>, %arg2: memref<64x5632xf32, #tpu.memory_space<vmem>>, %arg3: memref<5632x128xf32, #tpu.memory_space<vmem>>) attributes {dimension_semantics = [#tpu.dimension_semantics<arbitrary>], iteration_bounds = array<i64: 89>, scalar_prefetch = 0 : i64, scratch_operands = 0 : i64, tpu.core_type = #tpu.core_type<tc>, window_params = [{transform_indices = @transform_0, window_bounds = array<i64: 64, 5632>}, {transform_indices = @transform_1, window_bounds = array<i64: 64, 5632>}, {transform_indices = @transform_2, window_bounds = array<i64: 5632, 128>}]} {
    %get3A = arith.constant 0 : index
    %get3A_0 = arith.constant 0 : index
    %get3A_1 = vector.load %arg1[%get3A, %get3A_0] : memref<64x5632xf32, #tpu.memory_space<vmem>>, vector<64x5632xf32>
    %transpose3A = tpu.transpose %get3A_1, [1, 0] : vector<64x5632xf32> -> vector<5632x64xf32>
    %get3A_2 = arith.constant 0 : index
    %get3A_3 = arith.constant 0 : index
    %get3A_4 = vector.load %arg2[%get3A_2, %get3A_3] : memref<64x5632xf32, #tpu.memory_space<vmem>>, vector<64x5632xf32>
    %transpose3A_5 = tpu.transpose %get3A_4, [1, 0] : vector<64x5632xf32> -> vector<5632x64xf32>
    %concatenate3A = tpu.concatenate %transpose3A, %transpose3A_5 in 1 : vector<5632x64xf32>, vector<5632x64xf32> -> vector<5632x128xf32>
    %swap3A = arith.constant 0 : index
    %swap3A_6 = arith.constant 0 : index
    %swap3A_7 = vector.load %arg3[%swap3A, %swap3A_6] : memref<5632x128xf32, #tpu.memory_space<vmem>>, vector<5632x128xf32>
    tpu.vector_store %arg3[%swap3A, %swap3A_6], %concatenate3A {strides = array<i32>} : memref<5632x128xf32, #tpu.memory_space<vmem>>, vector<5632x128xf32>,
    return
  }
  func.func @transform_0(%arg0: i32) -> (i32, i32) {
    %c0_i32 = arith.constant 0 : i32
    %c0_i32_0 = arith.constant 0 : i32
    return %c0_i32, %arg0 : i32, i32
  }
  func.func @transform_1(%arg0: i32) -> (i32, i32) {
    %add3A = arith.constant 89 : i32
    %add3A_0 = arith.addi %arg0, %add3A : i32
    %c0_i32 = arith.constant 0 : i32
    %c0_i32_1 = arith.constant 0 : i32
    return %c0_i32, %add3A_0 : i32, i32
  }
  func.func @transform_2(%arg0: i32) -> (i32, i32) {
    %c0_i32 = arith.constant 0 : i32
    %c0_i32_0 = arith.constant 0 : i32
    return %arg0, %c0_i32 : i32, i32
  }
}

</mosaic_0001>

<sc_bundles>
// kernel: kernel.4.cloned.1.call-start
scs
__scs_entry_jumppad:
0x0: {  	(pc) =	sbr.rel $0x88, $3  }
0x1: {  	(tag) =	ssettag $0x0;
	lr =	simm.s32 $0x1  }
0x2: {  	[smem:$0x3F9F] =	sst lr;
	_ =	strace $0xD0000000  }
0x3: {  	_ = 	snop  }
0x4: {  	_ = 	snop  }
0x5: {  	_ = 	snop  }
0x6: {  	_ = 	snop  }
0x7: {  	_ = 	snop  }
__scs_overlays_trampoline_lowered:
0x8: {  	[smem:$0x3FAE] =	sst s0  }
0x9: {  	[smem:$0x3FAF] =	sst s1  }
0xa: {  	[smem:$0x3FB0] =	sst s2  }
0xb: {  	[smem:$0x3FB1] =	sst s3  }
0xc: {  	[smem:$0x3FB2] =	sst s4  }
0xd: {  	[smem:$0x3FB3] =	sst s5  }
0xe: {  	[smem:$0x3FB4] =	sst s6  }
0xf: {  	[smem:$0x3FB5] =	sst s7  }
0x10: {  	[smem:$0x3FB6] =	sst s8  }
0x11: {  	[smem:$0x3FB7] =	sst s9;
	s0 =	simm.s32 @!p0 $0x0  }
0x12: {  	s1 =	sld [smem:$0x3F9D];
	s0 =	simm.s32 @p0 $0x1  }
0x13: {  	[smem:$0x3FB8] =	sst s0;
	s0 =	simm.s32 @!p1 $0x0  }
0x14: {  	s2 =	sld [smem:$0x3F9C];
	s0 =	simm.s32 @p1 $0x1  }
0x15: {  	[smem:$0x3FB9] =	sst s0;
	s0 =	simm.s32 @!p2 $0x0  }
0x16: {  	s3 =	sld [smem:$0x3FDB];
	s0 =	simm.s32 @p2 $0x1  }
0x17: {  	s4 =	simm.s32 $0x1BF5;
	[smem:$0x3FBB] =	sst s0  }
0x18: {  	s0 =	sld [smem:$0x3F9E];
	_ =	swait.ge [sflag:s4], $0x0  }
0x19: {  	s7 =	sld [smem:$0x3F9F]  }
0x1a: {  	s8 =	sadd.s32 $0xFFFFE003, lr  }
0x1b: {  	s9 =	sadd.s32 $0xFFFFFEF7, lr;
	s5 =	simm.s32 $0xFFFFFFFF;
	p2 =	slt.u32 s8, $0xFFFFF086  }
0x1c: {  	p1 =	slt.u32 s9, $0xF7A;
	s5 =	simm.s32 @!p2 $0x0  }
0x1d: {  	s5 =	simm.s32 @p1 $0x1;
	p0 =	seq.s32 s7, s2  }
0x1e: {  	s7 =	smul.u32 @!p0 $0xF7A, s2;
	p2 =	seq.s32 @!p0 s5, $0x0  }
0x1f: {  	s9 =	smul.u32 $0xF7A, s1;
	s8 =	simm.s32 @!p0 $0x1BF5;
	p2 =	por !p2, p0  }
0x20: {  	[sflag:s8] =	ssyncset.s32 @!p0 $0xFFFFF086;
	s6 =	sadd.s32 @!p0 s3, s7;
	s7 =	simm.s32 @!p0 $0x108  }
0x21: {  	s3 =	sadd.s32 s3, s9;
	s6 =	sadd.s32 @!p0 $0x88, s6;
	s7 =	simm.s32 @p2 $0x1082  }
0x22: {  	[simem:s7], [sflag:s8] =	dma.local @!p0 [hbm:s6], $0xF7A  }
0x23: {  	s9 =	sor.u32 $0xD0000000, s2;
	s6 =	simm.s32 $0x108;
	_ =	swait.ge @!p0 [sflag:s8], $0x0  }
0x24: {  	s3 =	sadd.s32 $0x88, s3;
	s6 =	simm.s32 @!p1 $0x1082;
	[sflag:s4] =	ssyncset.s32 $0xFFFFF086  }
0x25: {  	[simem:s6], [sflag:s4] =	dma.local [hbm:s3], $0xF7A  }
0x26: {  	[smem:$0x3F9F] =	sst s1;
	(tag) =	ssettag s2;
	_ =	strace s9  }
0x27: {  	s1 =	sld [smem:$0x3FAF]  }
0x28: {  	s2 =	sld [smem:$0x3FB0]  }
0x29: {  	s4 =	sld [smem:$0x3FB2]  }
0x2a: {  	p0 =	seq.s32 s5, $0x0;
	s5 =	sld [smem:$0x3FB3]  }
0x2b: {  	s6 =	sld [smem:$0x3FB4]  }
0x2c: {  	s7 =	sld [smem:$0x3FB5]  }
0x2d: {  	s3 =	simm.s32 $0x108;
	s8 =	sld [smem:$0x3FB6]  }
0x2e: {  	s3 =	simm.s32 @!p0 $0x1082;
	s9 =	sld [smem:$0x3FB7]  }
0x2f: {  	lr =	sadd.s32 s0, s3;
	s0 =	sld [smem:$0x3FAE]  }
0x30: {  	s3 =	sld [smem:$0x3FB1]  }
0x31: {  	[smem:$0x3FBA] =	sst s10  }
0x32: {  	s10 =	sld [smem:$0x3FB8];
	_ =	sdelay $0x3  }
0x33: {  	p0 =	seq.s32 s10, $0x1;
	s10 =	sld [smem:$0x3FBA];
	_ =	sdelay $0x3  }
0x34: {  	[smem:$0x3FBA] =	sst s10  }
0x35: {  	s10 =	sld [smem:$0x3FB9];
	_ =	sdelay $0x3  }
0x36: {  	p1 =	seq.s32 s10, $0x1;
	s10 =	sld [smem:$0x3FBA];
	_ =	sdelay $0x3  }
0x37: {  	[smem:$0x3FBA] =	sst s10  }
0x38: {  	s10 =	sld [smem:$0x3FBB]  }
0x39: {  	_ = 	snop;
	(pc) =	sbr.ind lr, $3  }
0x3a: {  	_ = 	snop  }
0x3b: {  	_ = 	snop  }
0x3c: {  	p2 =	seq.s32 s10, $0x1;
	s10 =	sld [smem:$0x3FBA]  }
0x3d: {  	_ =	shalt  }
0x3e: {  	_ =	shalt  }
0x3f: {  	_ =	shalt  }
0x40: {  	_ =	shalt  }
0x41: {  	_ =	shalt  }
0x42: {  	_ =	shalt  }
0x43: {  	_ =	shalt  }
0x44: {  	_ =	shalt  }
0x45: {  	_ =	shalt  }
0x46: {  	_ =	shalt  }
0x47: {  	_ =	shalt  }
0x48: {  	_ =	shalt  }
0x49: {  	_ =	shalt  }
0x4a: {  	_ =	shalt  }
0x4b: {  	_ =	shalt  }
0x4c: {  	_ =	shalt  }
0x4d: {  	_ =	shalt  }
0x4e: {  	_ =	shalt  }
0x4f: {  	_ =	shalt  }
0x50: {  	_ =	shalt  }
0x51: {  	_ =	shalt  }
0x52: {  	_ =	shalt  }
0x53: {  	_ =	shalt  }
0x54: {  	_ =	shalt  }
0x55: {  	_ =	shalt  }
0x56: {  	_ =	shalt  }
0x57: {  	_ =	shalt  }
0x58: {  	_ =	shalt  }
0x59: {  	_ =	shalt  }
0x5a: {  	_ =	shalt  }
0x5b: {  	_ =	shalt  }
0x5c: {  	_ =	shalt  }
0x5d: {  	_ =	shalt  }
0x5e: {  	_ =	shalt  }
0x5f: {  	_ =	shalt  }
0x60: {  	_ =	shalt  }
0x61: {  	_ =	shalt  }
0x62: {  	_ =	shalt  }
0x63: {  	_ =	shalt  }
0x64: {  	_ =	shalt  }
0x65: {  	_ =	shalt  }
0x66: {  	_ =	shalt  }
0x67: {  	_ =	shalt  }
0x68: {  	_ =	shalt  }
0x69: {  	_ =	shalt  }
0x6a: {  	_ =	shalt  }
0x6b: {  	_ =	shalt  }
0x6c: {  	_ =	shalt  }
0x6d: {  	_ =	shalt  }
0x6e: {  	_ =	shalt  }
0x6f: {  	_ =	shalt  }
0x70: {  	_ =	shalt  }
0x71: {  	_ =	shalt  }
0x72: {  	_ =	shalt  }
0x73: {  	_ =	shalt  }
0x74: {  	_ =	shalt  }
0x75: {  	_ =	shalt  }
0x76: {  	_ =	shalt  }
0x77: {  	_ =	shalt  }
0x78: {  	_ =	shalt  }
0x79: {  	_ =	shalt  }
0x7a: {  	_ =	shalt  }
0x7b: {  	_ =	shalt  }
0x7c: {  	_ =	shalt  }
0x7d: {  	_ =	shalt  }
0x7e: {  	_ =	shalt  }
0x7f: {  	_ =	shalt  }
0x80: {  	_ =	shalt  }
0x81: {  	_ =	shalt  }
0x82: {  	_ =	shalt  }
0x83: {  	_ =	shalt  }
0x84: {  	_ =	shalt  }
0x85: {  	_ =	shalt  }
0x86: {  	_ =	shalt  }
0x87: {  	_ =	shalt  }
.Lfunc_end0:
.L_simem_size_0:
called_computation.1_lowered:
.L_overlay_start_0:
0x88: {  	s2 =	sld [smem:$0x3FD9]  }
0x89: {  	s3 =	sld [smem:$0x3FFE];
	_ =	sdelay $0x1  }
0x8a: {  	s1 =	srdreg.scid  }
0x8b: {  	s0 =	sand.u32 $0x1, s1  }
0x8c: {  	s17 =	sshll.u32 s0, $0xA;
	s2 =	sadd.s32 s3, s2  }
0x8d: {  	s2 =	sadd.s32 s2, s17  }
0x8e: {  	[smem:$0x3FC6] =	sst s2  }
0x8f: {  	_ = 	snop  }
0x90: {  	s2 =	sld [smem:$0x3FD0];
	(tm) =	ssettm $0x1  }
0x91: {  	s18 =	sld [smem:$0x3FFB];
	_ =	sdelay $0x3  }
0x92: {  	_ =	strace s18  }
0x93: {  	s3 =	sld [smem:$0x3FFC];
	_ =	sdelay $0x3  }
0x94: {  	_ =	strace s3  }
0x95: {  	s3 =	sld [smem:$0x3FFD];
	_ =	sdelay $0x3  }
0x96: {  	_ =	strace s3  }
0x97: {  	_ =	strace $0x8FFFFFFF  }
0x98: {  	s19 =	sld [smem:$0x3FDB];
	_ =	sdelay $0x1  }
0x99: {  	s4 =	simm.s32 $_scs_section_size  }
0x9a: {  	s5 =	simm.s32 $_size__tile_overlayer_lowered;
	s6 =	simm.s32 $_tile_overlayer_lowered  }
0x9b: {  	s22 =	simm.s32 $0x1BFF;
	s21 =	sshll.u32 s6, $0x1;
	s3 =	sadd.s32 s4, s19  }
0x9c: {  	s7 =	simm.s32 $0x0;
	s20 =	sshll.u32 s5, $0x1;
	s5 =	sadd.s32 s21, s3  }
0x9d: {  	[timem:s7], [sflag:s22] =	dma.local [hbm:s5], s20  }
0x9e: {  	_ =	swait.ge [sflag:s22], s20  }
0x9f: {  	s4 =	ssub.s32 $0x0, s20;
	[sflag:s22] =	ssyncset.done $0x0  }
0xa0: {  	[sflag:s22] =	ssyncadd.s32 s4;
	_ =	sdelay $0x1  }
0xa1: {  	s23 =	simm.s32 $0x1B8B  }
0xa2: {  	_ =	swait.ge [sflag:s23], $0x1  }
0xa3: {  	[sflag:s23] =	ssyncset.done $0x0  }
0xa4: {  	s25 =	simm.s32 $0x1B8E;
	s24 =	sld [smem:$0x3FFE];
	[sflag:s23] =	ssyncadd.s32 $0xFFFFFFFF  }
0xa5: {  	s26 =	simm.s32 $execute0_lowered;
	[smem:$0x3FD2] =	sst s25  }
0xa6: {  	s5 =	sshll.u32 s26, $0x1;
	_ =	strace $0x80000046;
	[dreg:$0x1] =	wrdreg $0xFFFFFFFF  }
0xa7: {  	s28 =	simm.s32 $_size_execute0_lowered;
	s3 =	sadd.s32 s3, s5;
	[dreg:$0x0] =	wrdreg $0x0  }
0xa8: {  	s5 =	sshll.u32 s28, $0x1;
	[dreg:$0x2] =	wrdreg s3  }
0xa9: {  	[dreg:$0x3] =	wrdreg s5  }
0xaa: {  	[dreg:$0x4] =	wrdreg $0xC0  }
0xab: {  	_ =	task [dreg:s7], $0x5FFFF  }
0xac: {  	[dreg:$0x1] =	wrdreg $0xFFFFFFFF  }
0xad: {  	[dreg:$0x0] =	wrdreg $0x60  }
0xae: {  	[dreg:$0x2] =	wrdreg s2  }
0xaf: {  	[dreg:$0x3] =	wrdreg s24  }
0xb0: {  	[dreg:$0x4] =	wrdreg $0x9  }
0xb1: {  	_ =	task.clear_ibuf [dreg:s7], $0x5FFFF;
	_ =	strace $0x90000046  }
0xb2: {  	s29 =	simm.s32 $0x9;
	_ =	strace $0x80000048  }
0xb3: {  	_ =	swait.ge [sflag:s29], $0x1  }
0xb4: {  	[sflag:s29] =	ssyncadd.s32 $0xFFFFFFFF  }
0xb5: {  	_ =	strace $0x90000048  }
0xb6: {  	_ =	sfence  }
0xb7: {  	s30 =	sld [smem:$0x0];
	_ =	sdelay $0x2  }
0xb8: {  	s31 =	sshll.u32 s1, $0xD;
	s1 =	sshrl.u32 s1, $0x2  }
0xb9: {  	s3 =	sand.u32 $0x4000, s31;
	s1 =	sadd.s32 s1, s30  }
0xba: {  	s0 =	sor.u32 s3, s0;
	s1 =	sshll.u32 s1, $0x11  }
0xbb: {  	s0 =	sor.u32 s1, s0  }
0xbc: {  	s0 =	sadd.s32 $0x8F2B, s0  }
0xbd: {  	[sflag:s0] =	ssyncadd.remote.s32 $0x1  }
0xbe: {  	_ =	sfence.sel $0xFFFF  }
0xbf: {  	[dreg:$0x0] =	wrdreg $0xFFFFFFFF;
	(pc) =	sbr.abs _section_cstart, $3  }
0xc0: {  	[dreg:$0x1] =	wrdreg $0xFFFFFFFF  }
0xc1: {  	_ =	task.clear_ibuf [dreg:s7], $0x2FFFF;
	_ =	strace $0x9FFFFFFF  }
0xc2: {  	(tm) =	ssettm $0x7FFFFFFF  }
0xc3: {  	_ =	shalt  }
tec
execute0_lowered:
.L_overlay_start_1:
0x0: {  	(tag) =	ssettag $0x1  }
0x1: {  	s0 =	srdreg.scid  }
0x2: {  	s2 =	stileid.u32;
	s4 =	rddreg [dreg:$0x0]  }
0x3: {  	s5 =	rddreg [dreg:$0x1];
	s3 =	simm.s32 $0x0;
	s12 =	simm.s32 $0x6400  }
0x4: {  	s15 =	simm.s32 $0xA400;
	s19 =	simm.s32 $0xE400;
	s23 =	simm.s32 $0x12400  }
0x5: {  	s28 =	simm.s32 $0x40;
	s29 =	simm.s32 $0x2;
	s30 =	simm.s32 $0x3  }
0x6: {  	s31 =	simm.s32 $0x4;
	s13 =	simm.s32 $0x7;
	s14 =	simm.s32 $0x8  }
0x7: {  	s16 =	simm.s32 $0x0;
	s0 =	sand.u32 $0x1, s0;
	s6 =	smul.u32 $0x640000, s2  }
0x8: {  	s1 =	sshll.u32 s2, $0x1;
	[smem:$0x7FF] =	sst s3;
	s7 =	smul.u32 $0xC800, s2  }
0x9: {  	s3 =	sadd.s32 $0x800, s5;
	s11 =	sadd.s32 $0x7A6800, s5;
	s9 =	smul.u32 $0x6400, s0  }
0xa: {  	s1 =	sor.u32 s0, s1;
	s8 =	ssub.s32 $0x2, s0;
	s0 =	smul.u32 $0x320000, s0  }
0xb: {  	_ =	strace $0x80000047;
	s1 =	smul.u32 $0xC80, s1;
	s10 =	sshrl.u32 s8, $0x1  }
0xc: {  	s24 =	ssub.s32 s8, s10;
	s7 =	sadd.s32 s9, s7;
	s0 =	sadd.s32 s0, s6  }
0xd: {  	s10 =	simm.s32 $0x9;
	s1 =	sadd.s32 s4, s1;
	s25 =	sshll.u32 s7, $0x4  }
.Ltmp0:
0xe: {  	s26 =	smax.u32 s24, $0x1;
	[dreg:$0x3] =	wrdreg s1;
	(pc) =	sbr.rel .LBB2_1-.Ltmp0, $4  }
0xf: {  	s0 =	sshrl.u32 s0, $0x3;
	[dreg:$0x4] =	wrdreg s26;
	s1 =	sadd.s32 s25, s11  }
0x10: {  	s22 =	sadd.s32 s0, s11;
	s11 =	simm.s32 $0x80;
	s25 =	simm.s32 $0x14400  }
0x11: {  	s26 =	simm.s32 $0x1;
	s0 =	simm.s32 $0x6;
	s21 =	sadd.s32 $0x3000, s1  }
0x12: {  	s20 =	sadd.s32 $0x2000, s1;
	s18 =	sadd.s32 $0x1000, s1;
	s1 =	simm.s32 $0x5  }
.LBB2_4:
0x13: {  	_ =	swait.ge [sflag:s1], $0x4000  }
0x14: {  	[sflag:s1] =	ssyncset.done $0x0  }
0x15: {  	[sflag:s1] =	ssyncadd.s32 $0xFFFFC000  }
0x16: {  	_ =	swait.ge [sflag:s0], $0x4000  }
0x17: {  	[sflag:s0] =	ssyncset.done $0x0  }
0x18: {  	[sflag:s0] =	ssyncadd.s32 $0xFFFFC000  }
0x19: {  	_ =	swait.ge [sflag:s13], $0x4000  }
0x1a: {  	[sflag:s13] =	ssyncset.done $0x0  }
0x1b: {  	[sflag:s13] =	ssyncadd.s32 $0xFFFFC000  }
0x1c: {  	_ =	swait.ge [sflag:s14], $0x4000  }
0x1d: {  	s16 =	sadd.s32 $0x1, s16;
	s2 =	rddreg [dreg:$0x4]  }
0x1e: {  	p0 =	sne.s32 s16, s2  }
.Ltmp1:
0x1f: {  	_ = 	snop;
	(pc) =	sbr.rel @!p0 .LBB2_5-.Ltmp1, $3  }
0x20: {  	_ =	sdelay $0x1  }
0x21: {  	[sflag:s14] =	ssyncset.done $0x0  }
0x22: {  	[sflag:s14] =	ssyncadd.s32 $0xFFFFC000  }
.LBB2_1:
0x23: {  	s2 =	simm.s32 $0x0;
	s4 =	rddreg [dreg:$0x3]  }
0x24: {  	[tilespmem:s2], [sflag:$0x9] =	stream.linear.gather [hbm4b:s4+s2], $0x6400, $0x38;
	[tilespmem:$0x16400] =	vst v63  }
0x25: {  	_ =	swait.ge [sflag:s10], $0x6400  }
0x26: {  	[sflag:s10] =	ssyncset.done $0x0  }
0x27: {  	[sflag:s10] =	ssyncadd.s32 $0xFFFF9C00  }
0x28: {  	[tilespmem:s12], [sflag:$0x1] =	stream.indirect.gather [hbm4b:s3+s11], $0x40, s2, s11, $0xb8;
	[tilespmem:$0x16400] =	vst v63  }
0x29: {  	s24 =	simm.s32 $0x8400  }
0x2a: {  	[tilespmem:s24], [sflag:$0x1] =	stream.indirect.gather [hbm4b:s3+s11], $0x40, s11, s11, $0xb8;
	[tilespmem:$0x16400] =	vst v63  }
0x2b: {  	s4 =	simm.s32 $0x100  }
0x2c: {  	[tilespmem:s15], [sflag:$0x2] =	stream.indirect.gather [hbm4b:s3+s11], $0x40, s4, s11, $0xb8;
	[tilespmem:$0x16400] =	vst v63  }
0x2d: {  	s5 =	simm.s32 $0x180;
	s6 =	simm.s32 $0xC400  }
0x2e: {  	[tilespmem:s6], [sflag:$0x2] =	stream.indirect.gather [hbm4b:s3+s11], $0x40, s5, s11, $0xb8;
	[tilespmem:$0x16400] =	vst v63  }
0x2f: {  	s7 =	simm.s32 $0x200  }
0x30: {  	[tilespmem:s19], [sflag:$0x3] =	stream.indirect.gather [hbm4b:s3+s11], $0x40, s7, s11, $0xb8;
	[tilespmem:$0x16400] =	vst v63  }
0x31: {  	s8 =	simm.s32 $0x280;
	s9 =	simm.s32 $0x10400;
	s17 =	simm.s32 $0x300  }
0x32: {  	[tilespmem:s9], [sflag:$0x3] =	stream.indirect.gather [hbm4b:s3+s11], $0x40, s8, s11, $0xb8;
	[tilespmem:$0x16400] =	vst v63  }
0x33: {  	s24 =	simm.s32 $0x380;
	s6 =	smov.u32 s22;
	s7 =	smov.u32 s21  }
0x34: {  	[tilespmem:s23], [sflag:$0x4] =	stream.indirect.gather [hbm4b:s3+s11], $0x40, s17, s11, $0xb8;
	[tilespmem:$0x16400] =	vst v63  }
0x35: {  	s9 =	smov.u32 s18;
	s8 =	smov.u32 s20;
	s17 =	simm.s32 $0x0  }
0x36: {  	[tilespmem:s25], [sflag:$0x4] =	stream.indirect.gather [hbm4b:s3+s11], $0x40, s24, s11, $0xb8;
	[tilespmem:$0x16400] =	vst v63  }
.LBB2_2:
0x37: {  	_ =	swait.ge [sflag:s26], $0x2000  }
0x38: {  	[sflag:s26] =	ssyncset.done $0x0  }
0x39: {  	[sflag:s26] =	ssyncadd.s32 $0xFFFFE000  }
0x3a: {  	_ =	swait.ge [sflag:s26], $0x2000  }
0x3b: {  	p0 =	seq.s32 s17, $0x18000;
	[sflag:s26] =	ssyncset.done $0x0  }
0x3c: {  	s24 =	simm.s32 @!p0 $0x5;
	[sflag:s26] =	ssyncadd.s32 $0xFFFFE000  }
0x3d: {  	[hbm4b:s6+s28] =	stream.strided.scatter [tilespmem:s12], [sflag:$0x5], $0x4000, s11, s28, $0x38;
	[tilespmem:$0x16400] =	vst v63  }
0x3e: {  	_ =	swait.ge @!p0 [sflag:s24], $0x4000  }
0x3f: {  	[sflag:s24] =	ssyncset.done @!p0 $0x0  }
0x40: {  	[sflag:s24] =	ssyncadd.s32 @!p0 $0xFFFFC000;
	s24 =	sshra.s32 @!p0 s17, $0x2  }
0x41: {  	s4 =	simm.s32 @!p0 $0x80;
	s5 =	simm.s32 @!p0 $0x6400;
	s2 =	sadd.s32 @!p0 $0x400, s24  }
0x42: {  	[tilespmem:s5], [sflag:$0x1] =	stream.indirect.gather @!p0 [hbm4b:s3+s4], $0x40, s2, s4, $0xb8;
	[tilespmem:$0x16400] =	vst v63  }
0x43: {  	s2 =	sadd.s32 @!p0 $0x480, s24;
	s5 =	simm.s32 @!p0 $0x8400  }
0x44: {  	[tilespmem:s5], [sflag:$0x1] =	stream.indirect.gather @!p0 [hbm4b:s3+s4], $0x40, s2, s4, $0xb8;
	[tilespmem:$0x16400] =	vst v63  }
0x45: {  	_ =	swait.ge [sflag:s29], $0x2000  }
0x46: {  	[sflag:s29] =	ssyncset.done $0x0  }
0x47: {  	[sflag:s29] =	ssyncadd.s32 $0xFFFFE000  }
0x48: {  	_ =	swait.ge [sflag:s29], $0x2000  }
0x49: {  	[sflag:s29] =	ssyncset.done $0x0  }
0x4a: {  	s2 =	simm.s32 @!p0 $0x6;
	[sflag:s29] =	ssyncadd.s32 $0xFFFFE000  }
0x4b: {  	[hbm4b:s9+s28] =	stream.strided.scatter [tilespmem:s15], [sflag:$0x6], $0x4000, s11, s28, $0x38;
	[tilespmem:$0x16400] =	vst v63  }
0x4c: {  	_ =	swait.ge @!p0 [sflag:s2], $0x4000  }
0x4d: {  	[sflag:s2] =	ssyncset.done @!p0 $0x0  }
0x4e: {  	s5 =	simm.s32 @!p0 $0xA400;
	[sflag:s2] =	ssyncadd.s32 @!p0 $0xFFFFC000;
	s2 =	sadd.s32 @!p0 $0x500, s24  }
0x4f: {  	[tilespmem:s5], [sflag:$0x2] =	stream.indirect.gather @!p0 [hbm4b:s3+s4], $0x40, s2, s4, $0xb8;
	[tilespmem:$0x16400] =	vst v63  }
0x50: {  	s2 =	sadd.s32 @!p0 $0x580, s24;
	s5 =	simm.s32 @!p0 $0xC400  }
0x51: {  	[tilespmem:s5], [sflag:$0x2] =	stream.indirect.gather @!p0 [hbm4b:s3+s4], $0x40, s2, s4, $0xb8;
	[tilespmem:$0x16400] =	vst v63  }
0x52: {  	_ =	swait.ge [sflag:s30], $0x2000  }
0x53: {  	[sflag:s30] =	ssyncset.done $0x0  }
0x54: {  	[sflag:s30] =	ssyncadd.s32 $0xFFFFE000  }
0x55: {  	_ =	swait.ge [sflag:s30], $0x2000  }
0x56: {  	[sflag:s30] =	ssyncset.done $0x0  }
0x57: {  	s2 =	simm.s32 @!p0 $0x7;
	[sflag:s30] =	ssyncadd.s32 $0xFFFFE000  }
0x58: {  	[hbm4b:s8+s28] =	stream.strided.scatter [tilespmem:s19], [sflag:$0x7], $0x4000, s11, s28, $0x38;
	[tilespmem:$0x16400] =	vst v63  }
0x59: {  	_ =	swait.ge @!p0 [sflag:s2], $0x4000  }
0x5a: {  	[sflag:s2] =	ssyncset.done @!p0 $0x0  }
0x5b: {  	s5 =	simm.s32 @!p0 $0xE400;
	[sflag:s2] =	ssyncadd.s32 @!p0 $0xFFFFC000;
	s2 =	sadd.s32 @!p0 $0x600, s24  }
0x5c: {  	[tilespmem:s5], [sflag:$0x3] =	stream.indirect.gather @!p0 [hbm4b:s3+s4], $0x40, s2, s4, $0xb8;
	[tilespmem:$0x16400] =	vst v63  }
0x5d: {  	s2 =	sadd.s32 @!p0 $0x680, s24;
	s5 =	simm.s32 @!p0 $0x10400  }
0x5e: {  	[tilespmem:s5], [sflag:$0x3] =	stream.indirect.gather @!p0 [hbm4b:s3+s4], $0x40, s2, s4, $0xb8;
	[tilespmem:$0x16400] =	vst v63  }
0x5f: {  	_ =	swait.ge [sflag:s31], $0x2000  }
0x60: {  	[sflag:s31] =	ssyncset.done $0x0  }
.Ltmp2:
0x61: {  	[sflag:s31] =	ssyncadd.s32 $0xFFFFE000;
	(pc) =	sbr.rel @p0 .LBB2_4-.Ltmp2, $4  }
0x62: {  	_ =	swait.ge [sflag:s31], $0x2000  }
0x63: {  	[sflag:s31] =	ssyncset.done $0x0  }
0x64: {  	[sflag:s31] =	ssyncadd.s32 $0xFFFFE000  }
0x65: {  	[hbm4b:s7+s28] =	stream.strided.scatter [tilespmem:s23], [sflag:$0x8], $0x4000, s11, s28, $0x38;
	[tilespmem:$0x16400] =	vst v63  }
0x66: {  	_ =	swait.ge [sflag:s14], $0x4000;
	s2 =	sshra.s32 s17, $0x2;
	s6 =	sadd.s32 $0x4000, s6  }
.Ltmp3:
0x67: {  	s7 =	sadd.s32 $0x4000, s7;
	[sflag:s14] =	ssyncset.done $0x0;
	(pc) =	sbr.rel .LBB2_2-.Ltmp3, $4  }
0x68: {  	s8 =	sadd.s32 $0x4000, s8;
	s4 =	sadd.s32 $0x700, s2;
	[sflag:s14] =	ssyncadd.s32 $0xFFFFC000  }
0x69: {  	[tilespmem:s23], [sflag:$0x4] =	stream.indirect.gather [hbm4b:s3+s11], $0x40, s4, s11, $0xb8;
	[tilespmem:$0x16400] =	vst v63  }
0x6a: {  	s9 =	sadd.s32 $0x4000, s9;
	s17 =	sadd.s32 $0x1000, s17;
	s2 =	sadd.s32 $0x780, s2  }
0x6b: {  	[tilespmem:s25], [sflag:$0x4] =	stream.indirect.gather [hbm4b:s3+s11], $0x40, s2, s11, $0xb8;
	[tilespmem:$0x16400] =	vst v63  }
.LBB2_5:
0x6c: {  	_ =	sfence.sel $0x180000  }
0x6d: {  	[bflag:$0x0] =	sbarrier.arrive $0xFFFF  }
0x6e: {  	_ =	strace $0x90000047  }
0x6f: {  	s0 =	stileid.u32;
	[bflag:$0x2] =	sbarrier.arrive $0xFFFF  }
0x70: {  	p0 =	sne.s32 s0, $0x0;
	s0 =	rddreg [dreg:$0x2]  }
0x71: {  	s0 =	sadd.s32 @!p0 $0x100000, s0  }
0x72: {  	[sflag:s0] =	ssyncadd.tile.s32 @!p0 $0x1;
	_ =	shalt  }
.Lfunc_end2:
_tile_overlayer_lowered:
.L_overlay_start_2:
0x73: {  	(tag) =	ssettag $0x2  }
0x74: {  	s0 =	rddreg [dreg:$0x0];
	s2 =	stileid.u32  }
0x75: {  	s1 =	rddreg [dreg:$0x1];
	p0 =	sne.s32 s2, $0x0  }
0x76: {  	s3 =	rddreg [dreg:$0x2];
	[bflag:$0x3] =	sbarrier.arrive $0xFFFF;
	s2 =	simm.s32 @!p0 $0x1C09  }
0x77: {  	[timem:s3], [sflag:s2] =	dma.local @!p0 [hbm:s0], s1  }
0x78: {  	s0 =	simm.s32 @!p0 $0x9  }
0x79: {  	_ =	swait.ge @!p0 [sflag:s0], s1  }
0x7a: {  	s1 =	ssub.s32 @!p0 $0x0, s1;
	[sflag:s0] =	ssyncset.done @!p0 $0x0  }
0x7b: {  	[sflag:s0] =	ssyncadd.s32 @!p0 s1  }
0x7c: {  	[bflag:$0x3] =	sbarrier.arrive $0xFFFF  }
0x7d: {  	_ =	shalt  }

// kernel: sparse-core-data-format-call.cloned.1.call-start
scs
called_computation_lowered:
.L_overlay_start_0:
0x0: {  	s2 =	sld [smem:$0x3FD9]  }
0x1: {  	s3 =	sld [smem:$0x3FFE];
	_ =	sdelay $0x1  }
0x2: {  	s1 =	srdreg.scid  }
0x3: {  	s0 =	sand.u32 $0x1, s1  }
0x4: {  	s18 =	sshll.u32 s0, $0xA;
	s2 =	sadd.s32 s3, s2  }
0x5: {  	s2 =	sadd.s32 s2, s18  }
0x6: {  	[smem:$0x3FC6] =	sst s2  }
0x7: {  	_ = 	snop  }
0x8: {  	s2 =	sld [smem:$0x3FD0];
	(tm) =	ssettm $0x1  }
0x9: {  	s19 =	sld [smem:$0x3FFB];
	_ =	sdelay $0x3  }
0xa: {  	_ =	strace s19  }
0xb: {  	s3 =	sld [smem:$0x3FFC];
	_ =	sdelay $0x3  }
0xc: {  	_ =	strace s3  }
0xd: {  	s3 =	sld [smem:$0x3FFD];
	_ =	sdelay $0x3  }
0xe: {  	_ =	strace s3  }
0xf: {  	_ =	strace $0x8FFFFFFF  }
0x10: {  	s20 =	sld [smem:$0x3FDB];
	_ =	sdelay $0x1  }
0x11: {  	s4 =	simm.s32 $_scs_section_size  }
0x12: {  	s5 =	simm.s32 $_size__tile_overlayer_lowered;
	s6 =	simm.s32 $_tile_overlayer_lowered  }
0x13: {  	s23 =	simm.s32 $0x1BFF;
	s22 =	sshll.u32 s6, $0x1;
	s3 =	sadd.s32 s4, s20  }
0x14: {  	s7 =	simm.s32 $0x0;
	s21 =	sshll.u32 s5, $0x1;
	s5 =	sadd.s32 s22, s3  }
0x15: {  	[timem:s7], [sflag:s23] =	dma.local [hbm:s5], s21  }
0x16: {  	_ =	swait.ge [sflag:s23], s21  }
0x17: {  	s4 =	ssub.s32 $0x0, s21;
	[sflag:s23] =	ssyncset.done $0x0  }
0x18: {  	[sflag:s23] =	ssyncadd.s32 s4;
	_ =	sdelay $0x1  }
0x19: {  	s24 =	simm.s32 $0x1B8B  }
0x1a: {  	_ =	swait.ge [sflag:s24], $0x1  }
0x1b: {  	[sflag:s24] =	ssyncset.done $0x0  }
0x1c: {  	s26 =	simm.s32 $0x1B8E;
	s25 =	sld [smem:$0x3FFE];
	[sflag:s24] =	ssyncadd.s32 $0xFFFFFFFF  }
0x1d: {  	s27 =	simm.s32 $execute0_lowered;
	[smem:$0x3FD2] =	sst s26  }
0x1e: {  	s5 =	sshll.u32 s27, $0x1;
	_ =	strace $0x80000049;
	[dreg:$0x1] =	wrdreg $0xFFFFFFFF  }
0x1f: {  	s28 =	simm.s32 $_size_execute0_lowered;
	s3 =	sadd.s32 s3, s5;
	[dreg:$0x0] =	wrdreg $0x0  }
0x20: {  	s5 =	sshll.u32 s28, $0x1;
	[dreg:$0x2] =	wrdreg s3  }
0x21: {  	[dreg:$0x3] =	wrdreg s5  }
0x22: {  	[dreg:$0x4] =	wrdreg $0xC0  }
0x23: {  	_ =	task [dreg:s7], $0x5FFFF  }
0x24: {  	[dreg:$0x1] =	wrdreg $0xFFFFFFFF  }
0x25: {  	[dreg:$0x0] =	wrdreg $0x60  }
0x26: {  	[dreg:$0x2] =	wrdreg s25  }
0x27: {  	[dreg:$0x3] =	wrdreg s2  }
0x28: {  	[dreg:$0x4] =	wrdreg $0x9  }
0x29: {  	_ =	task.clear_ibuf [dreg:s7], $0x5FFFF;
	_ =	strace $0x90000049  }
0x2a: {  	s29 =	simm.s32 $0x9;
	_ =	strace $0x8000004B  }
0x2b: {  	_ =	swait.ge [sflag:s29], $0x1  }
0x2c: {  	[sflag:s29] =	ssyncadd.s32 $0xFFFFFFFF  }
0x2d: {  	_ =	strace $0x9000004B  }
0x2e: {  	_ =	sfence  }
0x2f: {  	s30 =	sld [smem:$0x0];
	_ =	sdelay $0x2  }
0x30: {  	s31 =	sshll.u32 s1, $0xD;
	s1 =	sshrl.u32 s1, $0x2  }
0x31: {  	s3 =	sand.u32 $0x4000, s31;
	s1 =	sadd.s32 s1, s30  }
0x32: {  	s0 =	sor.u32 s3, s0;
	s1 =	sshll.u32 s1, $0x11  }
0x33: {  	s0 =	sor.u32 s1, s0  }
0x34: {  	s0 =	sadd.s32 $0x8F2B, s0  }
0x35: {  	[sflag:s0] =	ssyncadd.remote.s32 $0x1  }
0x36: {  	_ =	sfence.sel $0xFFFF  }
0x37: {  	[dreg:$0x0] =	wrdreg $0xFFFFFFFF;
	(pc) =	sbr.abs _section_cstart, $3  }
0x38: {  	[dreg:$0x1] =	wrdreg $0xFFFFFFFF  }
0x39: {  	_ =	task.clear_ibuf [dreg:s7], $0x2FFFF;
	_ =	strace $0x9FFFFFFF  }
0x3a: {  	(tm) =	ssettm $0x7FFFFFFF  }
0x3b: {  	_ =	shalt  }
tec
execute0_lowered:
.L_overlay_start_1:
0x0: {  	(tag) =	ssettag $0x1  }
0x1: {  	s0 =	srdreg.scid  }
0x2: {  	s1 =	sshll.u32 s0, $0x4  }
0x3: {  	s0 =	stileid.u32;
	s1 =	sand.u32 $0x10, s1  }
0x4: {  	s1 =	sor.u32 s0, s1  }
0x5: {  	s6 =	rddreg [dreg:$0x0];
	s4 =	simm.s32 $0x1;
	s2 =	sshll.u32 s1, $0x7  }
0x6: {  	s7 =	simm.s32 $0x2;
	s12 =	simm.s32 $0x0;
	s1 =	ssub.s32 $0x1000, s2  }
0x7: {  	s8 =	simm.s32 $0x8000;
	s13 =	simm.s32 $0x0;
	s3 =	sand.u32 $0xF80, s1  }
0x8: {  	s9 =	simm.s32 $0x0;
	s5 =	sshrl.u32 s1, $0xC;
	p0 =	sne.s32 s3, $0x0  }
.Ltmp0:
0x9: {  	s1 =	rddreg [dreg:$0x2];
	s4 =	simm.s32 @!p0 $0x0;
	(pc) =	sbr.rel .LBB1_1-.Ltmp0, $4  }
0xa: {  	s11 =	simm.s32 $0x0;
	s3 =	rddreg [dreg:$0x1];
	s5 =	sadd.s32 s4, s5  }
0xb: {  	_ =	strace $0x8000004A;
	s4 =	simm.s32 $0x1;
	s5 =	smul.u32 $0xC8, s5  }
0xc: {  	s6 =	sadd.s32 $0x7A6800, s6;
	s10 =	smov.u32 s2;
	[sflag:s4] =	ssyncpa.u1 $0x0  }
0xd: {  	p0 =	por $0x0, $0x0;
	[sflag:s7] =	ssyncpa.u1 $0x0;
	s7 =	sor.u32 $0x1, s5  }
.LBB1_4:
0xe: {  	s16 =	sshll.u32 s13, $0x3;
	s17 =	sand.u32 $0x78, s13  }
0xf: {  	s30 =	sand.u32 $0x7E00, s13;
	s12 =	sshll.u32 s12, $0xF;
	s16 =	sand.u32 $0xC00, s16  }
0x10: {  	[tilespmem:s15+$0x810 ss:$0x81] =	vst.msk $0xffff, v2;
	s31 =	sand.u32 $0x7, s13;
	s16 =	sor.u32 s17, s16;
	s17 =	sadd.s32 s3, s30  }
0x11: {  	[tilespmem:s15+$0x1020 ss:$0x81] =	vst.msk $0xffff, v0;
	s13 =	sshll.u32 s31, $0x12;
	s12 =	sadd.s32 s12, s17;
	s16 =	sshrl.u32 s16, $0x3  }
0x12: {  	[tilespmem:s15+$0x0 ss:$0x81] =	vst.msk $0xffff, v1;
	s13 =	sor.u32 $0x400, s13;
	s12 =	sadd.s32 s16, s12  }
0x13: {  	[hbm4b:s12+s13] =	stream.strided.scatter [tilespmem:s14], [sflag:$0x2], $0x2000, s8, s13, $0x20;
	[tilespmem:$0x8080] =	vst v63  }
.LBB1_5:
0x14: {  	s14 =	sadd.s32 $0x1, s9  }
0x15: {  	s12 =	sadd.s32 $0x1000, s10;
	s16 =	smov.u32 s10;
	p2 =	sgt.s32 s14, $0xC7  }
0x16: {  	s16 =	smov.u32 @p2 s12  }
0x17: {  	s14 =	simm.s32 @p2 $0x0;
	p2 =	sgt.s32 s16, $0xFFF  }
0x18: {  	s16 =	smov.u32 @p2 s2;
	p2 =	sne.s32 s11, s7  }
.Ltmp1:
0x19: {  	p1 =	slt.u32 s11, $0x2;
	(pc) =	sbr.rel @!p2 .LBB1_6-.Ltmp1, $4  }
0x1a: {  	s15 =	simm.s32 @!p1 $0x2  }
0x1b: {  	s13 =	smov.u32 s10;
	p0 =	por !p0, !p0;
	_ =	swait.ge @!p1 [sflag:s15], $0x2000  }
0x1c: {  	s12 =	smov.u32 s9;
	[sflag:s15] =	ssyncset.done @!p1 $0x0;
	s9 =	smov.u32 s14  }
0x1d: {  	s11 =	sadd.s32 $0x1, s11;
	[sflag:s15] =	ssyncadd.s32 @!p1 $0xFFFFE000;
	s10 =	smov.u32 s16  }
.LBB1_1:
0x1e: {  	p1 =	sge.u32 s11, s5  }
0x1f: {  	s14 =	sand.u32 @!p1 $0x1FFFFFF, s9  }
0x20: {  	s15 =	smulhi.u32 @!p1 $0x147AE15, s14;
	_ =	sdelay $0x1  }
0x21: {  	s15 =	smul.u32 @!p1 $0xC8, s15  }
0x22: {  	s16 =	sxor.u32 @!p1 $0xFFFFFFFF, s11;
	s17 =	smul.u32 @!p1 $0xC80, s10  }
0x23: {  	s31 =	sadd.s32 $0xFFFFFFFF, s11;
	s16 =	sshll.u32 @!p1 s16, $0xD;
	s14 =	ssub.s32 @!p1 s14, s15  }
0x24: {  	s15 =	sand.u32 @!p1 $0x2000, s16;
	s16 =	sadd.s32 @!p1 s6, s17;
	s14 =	sshll.u32 @!p1 s14, $0x4  }
0x25: {  	s17 =	simm.s32 @!p1 $0x6400;
	s14 =	sadd.s32 @!p1 s14, s16;
	s16 =	simm.s32 @!p1 $0x40  }
0x26: {  	[tilespmem:s15], [sflag:$0x1] =	stream.strided.gather @!p1 [hbm4b:s14+s16], $0x2000, s17, s16, $0x38;
	[tilespmem:$0x8080] =	vst v63  }
0x27: {  	p1 =	sge.u32 s31, s5  }
.Ltmp2:
0x28: {  	_ = 	snop;
	(pc) =	sbr.rel @p1 .LBB1_5-.Ltmp2, $1  }
0x29: {  	_ =	sdelay $0x3  }
0x2a: {  	s14 =	simm.s32 $0x1  }
0x2b: {  	_ =	swait.ge [sflag:s4], $0x2000;
	s14 =	simm.s32 @!p0 $0x0  }
0x2c: {  	[sflag:s4] =	ssyncset.done $0x0;
	s15 =	sshll.u32 s14, $0xD  }
0x2d: {  	[sflag:s4] =	ssyncadd.s32 $0xFFFFE000;
	s18 =	sor.u32 $0x20, s15  }
0x2e: {  	s14 =	smul.u32 $0x8100, s14;
	v3 =	vld [tilespmem:s18+$0x10]  }
0x2f: {  	s30 =	sand.u32 $0x1, s11;
	v2 =	vld [tilespmem:s18+$0xFFFFFFF0]  }
0x30: {  	s15 =	smul.u32 $0x8100, s30;
	s14 =	sshrl.u32 s14, $0x2;
	v0 =	vld [tilespmem:s18+$0x0]  }
0x31: {  	v1 =	vld [tilespmem:s18+$0xFFFFFFE0];
	s16 =	sor.u32 $0x4000, s14  }
0x32: {  	s31 =	sshrl.u32 s15, $0x2;
	s15 =	sadd.s32 $0x0, s16  }
0x33: {  	s17 =	simm.s32 $0x4;
	s18 =	sadd.s32 $0x40, s18;
	s14 =	sor.u32 $0x4000, s31;
	[tilespmem:s15+$0x1830 ss:$0x81] =	vst.msk $0xffff, v3  }
.LBB1_3:
0x34: {  	v3 =	vld [tilespmem:s18+$0x10];
	p1 =	sne.s32 s17, $0x1FC;
	[tilespmem:s15+$0x810 ss:$0x81] =	vst.msk $0xffff, v2;
	s19 =	smov.u32 s17;
	s17 =	sadd.s32 $0x4, s17  }
.Ltmp3:
0x35: {  	v2 =	vld [tilespmem:s18+$0xFFFFFFF0];
	[tilespmem:s15+$0x1020 ss:$0x81] =	vst.msk $0xffff, v0;
	(pc) =	sbr.rel @p1 .LBB1_3-.Ltmp3, $4  }
0x36: {  	v0 =	vld [tilespmem:s18+$0x0];
	[tilespmem:s15+$0x0 ss:$0x81] =	vst.msk $0xffff, v1  }
0x37: {  	s15 =	sshra.s32 s19, $0x2;
	v1 =	vld [tilespmem:s18+$0xFFFFFFE0]  }
0x38: {  	s15 =	sadd.s32 s15, s16  }
0x39: {  	s18 =	sadd.s32 $0x40, s18;
	[tilespmem:s15+$0x1830 ss:$0x81] =	vst.msk $0xffff, v3  }
.Ltmp4:
0x3a: {  	_ = 	snop;
	(pc) =	sbr.rel .LBB1_4-.Ltmp4, $1  }
0x3b: {  	_ =	sdelay $0x3  }
.LBB1_6:
0x3c: {  	_ =	sfence.sel $0x180000  }
0x3d: {  	s2 =	simm.s32 $0x1;
	[bflag:$0x0] =	sbarrier.arrive $0xFFFF  }
0x3e: {  	s31 =	simm.s32 $0x2;
	[sflag:s2] =	ssyncpa.u1 $0x1  }
0x3f: {  	[sflag:s31] =	ssyncpa.u1 $0x1  }
0x40: {  	p0 =	sne.s32 s0, $0x0;
	_ =	strace $0x9000004A  }
0x41: {  	s0 =	sadd.s32 @!p0 $0x100000, s1;
	[bflag:$0x2] =	sbarrier.arrive $0xFFFF  }
0x42: {  	[sflag:s0] =	ssyncadd.tile.s32 @!p0 $0x1;
	_ =	shalt  }
.Lfunc_end1:
_tile_overlayer_lowered:
.L_overlay_start_2:
0x43: {  	(tag) =	ssettag $0x2  }
0x44: {  	s0 =	rddreg [dreg:$0x0];
	s2 =	stileid.u32  }
0x45: {  	s1 =	rddreg [dreg:$0x1];
	p0 =	sne.s32 s2, $0x0  }
0x46: {  	s3 =	rddreg [dreg:$0x2];
	[bflag:$0x3] =	sbarrier.arrive $0xFFFF;
	s2 =	simm.s32 @!p0 $0x1C01  }
0x47: {  	[timem:s3], [sflag:s2] =	dma.local @!p0 [hbm:s0], s1  }
0x48: {  	s0 =	simm.s32 @!p0 $0x1  }
0x49: {  	_ =	swait.ge @!p0 [sflag:s0], s1  }
0x4a: {  	s1 =	ssub.s32 @!p0 $0x0, s1;
	[sflag:s0] =	ssyncset.done @!p0 $0x0  }
0x4b: {  	[sflag:s0] =	ssyncadd.s32 @!p0 s1  }
0x4c: {  	[bflag:$0x3] =	sbarrier.arrive $0xFFFF  }
0x4d: {  	_ =	shalt  }

</sc_bundles>
